<compile_context>
chip_gen: v7x
topology: tpu7x:2x2x1
jax: 0.10.2.dev20260603
libtpu: 0.0.44.dev20260713+nightly
codegen_flags: <defaults>
</compile_context>

<pallas_src>
import functools

import jax
import jax.numpy as jnp
from jax import lax
from jax.experimental import pallas as pl
from jax.experimental.pallas import tpu as pltpu
from jax.experimental.pallas import tpu_sc as plsc

_B = 50000
_D = 128
_CHUNK = 112
_NBUF = 7
_GDEPTH = 5


@functools.cache
def _build_gather():
    info = plsc.get_sparse_core_info()
    nc, ns = info.num_cores, info.num_subcores
    nw = nc * ns
    nslot = -(-_B // (nw * _CHUNK))
    assert nslot % _NBUF == 0

    mesh = plsc.VectorSubcoreMesh(core_axis_name="c", subcore_axis_name="s")

    @functools.partial(
        pl.kernel,
        mesh=mesh,
        out_type=jax.ShapeDtypeStruct((_B, _D), jnp.float32),
        scratch_types=[
            pltpu.VMEM((_NBUF, _CHUNK), jnp.int32),
            pltpu.VMEM((_NBUF, _CHUNK, _D), jnp.float32),
        ] + [pltpu.SemaphoreType.DMA] * (3 * _NBUF),
    )
    def gather_k(idx_hbm, table_hbm, out_hbm, idx_v, rows_v, *sems):
        isem = sems[0:_NBUF]
        gsem = sems[_NBUF:2 * _NBUF]
        ssem = sems[2 * _NBUF:3 * _NBUF]
        wid = lax.axis_index("s") * nc + lax.axis_index("c")

        def chunk_base(s):
            return jnp.minimum((wid + nw * s) * _CHUNK, _B - _CHUNK)

        def start_idx(s, b):
            pltpu.async_copy(idx_hbm.at[pl.ds(chunk_base(s), _CHUNK)],
                             idx_v.at[b], isem[b])

        def wait_idx(b):
            pltpu.make_async_copy(idx_hbm.at[pl.ds(0, _CHUNK)],
                                  idx_v.at[b], isem[b]).wait()

        def start_gather(b):
            pltpu.async_copy(table_hbm.at[idx_v.at[b]], rows_v.at[b],
                             gsem[b])

        def wait_gather(b):
            pltpu.make_async_copy(table_hbm.at[idx_v.at[b]], rows_v.at[b],
                                  gsem[b]).wait()

        def start_store(s, b):
            pltpu.async_copy(rows_v.at[b],
                             out_hbm.at[pl.ds(chunk_base(s), _CHUNK)],
                             ssem[b])

        def wait_store(b):
            pltpu.make_async_copy(rows_v.at[b], out_hbm.at[pl.ds(0, _CHUNK)],
                                  ssem[b]).wait()

        for b in range(_NBUF):
            start_idx(b, b)
        for b in range(_GDEPTH):
            wait_idx(b)
            start_gather(b)

        def body(j, carry):
            for b in range(_NBUF):
                s = _NBUF * j + b

                wait_gather(b)
                start_store(s, b)

                b2 = (b + _GDEPTH) % _NBUF

                @pl.when(s + _GDEPTH < nslot)
                def _():
                    @pl.when(s >= _NBUF - _GDEPTH)
                    def _():
                        wait_store(b2)
                    wait_idx(b2)
                    start_gather(b2)

                @pl.when(s + _NBUF < nslot)
                def _():
                    start_idx(s + _NBUF, b)
            return carry

        lax.fori_loop(0, nslot // _NBUF, body, None)

        for b in range(_NBUF):
            wait_store(b)

    return gather_k


def kernel(indices, x):
    return _build_gather()(indices.reshape(-1), x)

# --- scband reference (transcript-rebuilt; emitter-appended) ---
"""Pipeline reference for scband-select-from-indices-38285338476778 (READ-ONLY COPY).

The authoritative reference and input builder live on the scoring server;
editing this copy changes nothing except your own understanding.
"""

import jax, jax.numpy as jnp
import numpy as np


def setup_inputs(seed: int = 0) -> dict:
    key = jax.random.key(seed)
    k_idx, k_x = jax.random.split(key)
    indices = jax.random.randint(k_idx, (50000, 1), 0, 100000).astype(jnp.int32)
    x = jax.random.normal(k_x, (100000, 128), dtype=jnp.float32)
    return {"indices": indices, "x": x}


def reference(indices, x):
    # SelectFromIndices.call with inputs=[indices, x].
    # tf.gather_nd(x, indices) with indices of shape [K, 1] gathers rows of x,
    # followed by tf.reshape(g, [-1, d]).
    g = jnp.take(x, indices[:, 0], axis=0)
    g = jnp.reshape(g, (-1, x.shape[1]))
    return g

if __name__ == "__main__":
    import jax
    _d = setup_inputs()
    print(jax.jit(kernel)(*tuple(_d.values())))

</pallas_src>

<mosaic_0001>
#map = affine_map<(d0, d1) -> (0)>
#map1 = affine_map<(d0, d1) -> (0, 0)>
module attributes {stable_mosaic.version = 14 : i64} {
  func.func @gather_k(%arg0: i32, %arg1: i32, %arg2: memref<50000xi32, #tpu.memory_space<hbm>>, %arg3: memref<100000x128xf32, #tpu.memory_space<hbm>>, %arg4: memref<50000x128xf32, #tpu.memory_space<hbm>>, %arg5: memref<7x112xi32, #tpu.memory_space<vmem>>, %arg6: memref<7x112x128xf32, #tpu.memory_space<vmem>>, %arg7: memref<!tpu.dma_semaphore, #tpu.memory_space<semaphore_mem>>, %arg8: memref<!tpu.dma_semaphore, #tpu.memory_space<semaphore_mem>>, %arg9: memref<!tpu.dma_semaphore, #tpu.memory_space<semaphore_mem>>, %arg10: memref<!tpu.dma_semaphore, #tpu.memory_space<semaphore_mem>>, %arg11: memref<!tpu.dma_semaphore, #tpu.memory_space<semaphore_mem>>, %arg12: memref<!tpu.dma_semaphore, #tpu.memory_space<semaphore_mem>>, %arg13: memref<!tpu.dma_semaphore, #tpu.memory_space<semaphore_mem>>, %arg14: memref<!tpu.dma_semaphore, #tpu.memory_space<semaphore_mem>>, %arg15: memref<!tpu.dma_semaphore, #tpu.memory_space<semaphore_mem>>, %arg16: memref<!tpu.dma_semaphore, #tpu.memory_space<semaphore_mem>>, %arg17: memref<!tpu.dma_semaphore, #tpu.memory_space<semaphore_mem>>, %arg18: memref<!tpu.dma_semaphore, #tpu.memory_space<semaphore_mem>>, %arg19: memref<!tpu.dma_semaphore, #tpu.memory_space<semaphore_mem>>, %arg20: memref<!tpu.dma_semaphore, #tpu.memory_space<semaphore_mem>>, %arg21: memref<!tpu.dma_semaphore, #tpu.memory_space<semaphore_mem>>, %arg22: memref<!tpu.dma_semaphore, #tpu.memory_space<semaphore_mem>>, %arg23: memref<!tpu.dma_semaphore, #tpu.memory_space<semaphore_mem>>, %arg24: memref<!tpu.dma_semaphore, #tpu.memory_space<semaphore_mem>>, %arg25: memref<!tpu.dma_semaphore, #tpu.memory_space<semaphore_mem>>, %arg26: memref<!tpu.dma_semaphore, #tpu.memory_space<semaphore_mem>>, %arg27: memref<!tpu.dma_semaphore, #tpu.memory_space<semaphore_mem>>) attributes {dimension_semantics = [#tpu.dimension_semantics<core_parallel>, #tpu.dimension_semantics<subcore_parallel>], iteration_bounds = array<i64: 2, 16>, scalar_prefetch = 0 : i64, scratch_operands = 23 : i64, tpu.core_type = #tpu.core_type<sc_vector_subcore>, window_params = [{transform_indices = #map}, {transform_indices = #map1}, {transform_indices = #map1}]} {
    %mul3A = arith.constant 2 : i32
    %mul3A_0 = arith.muli %arg1, %mul3A : i32
    %add3A = arith.addi %mul3A_0, %arg0 : i32
    %add3A_1 = arith.constant 0 : i32
    %add3A_2 = arith.addi %add3A, %add3A_1 : i32
    %mul3A_3 = arith.constant 112 : i32
    %mul3A_4 = arith.muli %add3A_2, %mul3A_3 : i32
    %min3A = arith.constant 49888 : i32
    %min3A_5 = arith.minsi %mul3A_4, %min3A : i32
    %dma_start3A = arith.constant 0 : i32
    %dma_start3A_6 = arith.constant 0 : i32
    %dma_start3A_7 = tpu.memref_slice %arg5[%dma_start3A, %dma_start3A_6] : memref<7x112xi32, #tpu.memory_space<vmem>> -> memref<1x112xi32, #tpu.memory_space<vmem>>
    %dma_start3A_8 = tpu.memref_squeeze %dma_start3A_7 : memref<1x112xi32, #tpu.memory_space<vmem>> -> memref<112xi32, #tpu.memory_space<vmem>>
    %dma_start3A_9 = tpu.memref_slice %arg2[%min3A_5] : memref<50000xi32, #tpu.memory_space<hbm>> -> memref<112xi32, #tpu.memory_space<hbm>>
    %dma_start3A_10 = arith.constant 0 : i32
    %dma_start3A_11 = tpu.memref_slice %arg5[%dma_start3A, %dma_start3A_10] : memref<7x112xi32, #tpu.memory_space<vmem>> -> memref<1x112xi32, #tpu.memory_space<vmem>>
    %dma_start3A_12 = tpu.memref_squeeze %dma_start3A_11 : memref<1x112xi32, #tpu.memory_space<vmem>> -> memref<112xi32, #tpu.memory_space<vmem>>
    %dma_start3A_13 = tpu.memref_slice %arg2[%min3A_5] : memref<50000xi32, #tpu.memory_space<hbm>> -> memref<112xi32, #tpu.memory_space<hbm>>
    tpu.enqueue_dma source(%dma_start3A_13 : memref<112xi32, #tpu.memory_space<hbm>>) target(%dma_start3A_12 : memref<112xi32, #tpu.memory_space<vmem>>) target_semaphore(%arg7 : memref<!tpu.dma_semaphore, #tpu.memory_space<semaphore_mem>>)
    %add3A_14 = arith.constant 32 : i32
    %add3A_15 = arith.addi %add3A, %add3A_14 : i32
    %mul3A_16 = arith.constant 112 : i32
    %mul3A_17 = arith.muli %add3A_15, %mul3A_16 : i32
    %min3A_18 = arith.constant 49888 : i32
    %min3A_19 = arith.minsi %mul3A_17, %min3A_18 : i32
    %dma_start3A_20 = arith.constant 1 : i32
    %dma_start3A_21 = arith.constant 0 : i32
    %dma_start3A_22 = tpu.memref_slice %arg5[%dma_start3A_20, %dma_start3A_21] : memref<7x112xi32, #tpu.memory_space<vmem>> -> memref<1x112xi32, #tpu.memory_space<vmem>>
    %dma_start3A_23 = tpu.memref_squeeze %dma_start3A_22 : memref<1x112xi32, #tpu.memory_space<vmem>> -> memref<112xi32, #tpu.memory_space<vmem>>
    %dma_start3A_24 = tpu.memref_slice %arg2[%min3A_19] : memref<50000xi32, #tpu.memory_space<hbm>> -> memref<112xi32, #tpu.memory_space<hbm>>
    %dma_start3A_25 = arith.constant 0 : i32
    %dma_start3A_26 = tpu.memref_slice %arg5[%dma_start3A_20, %dma_start3A_25] : memref<7x112xi32, #tpu.memory_space<vmem>> -> memref<1x112xi32, #tpu.memory_space<vmem>>
    %dma_start3A_27 = tpu.memref_squeeze %dma_start3A_26 : memref<1x112xi32, #tpu.memory_space<vmem>> -> memref<112xi32, #tpu.memory_space<vmem>>
    %dma_start3A_28 = tpu.memref_slice %arg2[%min3A_19] : memref<50000xi32, #tpu.memory_space<hbm>> -> memref<112xi32, #tpu.memory_space<hbm>>
    tpu.enqueue_dma source(%dma_start3A_28 : memref<112xi32, #tpu.memory_space<hbm>>) target(%dma_start3A_27 : memref<112xi32, #tpu.memory_space<vmem>>) target_semaphore(%arg8 : memref<!tpu.dma_semaphore, #tpu.memory_space<semaphore_mem>>)
    %add3A_29 = arith.constant 64 : i32
    %add3A_30 = arith.addi %add3A, %add3A_29 : i32
    %mul3A_31 = arith.constant 112 : i32
    %mul3A_32 = arith.muli %add3A_30, %mul3A_31 : i32
    %min3A_33 = arith.constant 49888 : i32
    %min3A_34 = arith.minsi %mul3A_32, %min3A_33 : i32
    %dma_start3A_35 = arith.constant 2 : i32
    %dma_start3A_36 = arith.constant 0 : i32
    %dma_start3A_37 = tpu.memref_slice %arg5[%dma_start3A_35, %dma_start3A_36] : memref<7x112xi32, #tpu.memory_space<vmem>> -> memref<1x112xi32, #tpu.memory_space<vmem>>
    %dma_start3A_38 = tpu.memref_squeeze %dma_start3A_37 : memref<1x112xi32, #tpu.memory_space<vmem>> -> memref<112xi32, #tpu.memory_space<vmem>>
    %dma_start3A_39 = tpu.memref_slice %arg2[%min3A_34] : memref<50000xi32, #tpu.memory_space<hbm>> -> memref<112xi32, #tpu.memory_space<hbm>>
    %dma_start3A_40 = arith.constant 0 : i32
    %dma_start3A_41 = tpu.memref_slice %arg5[%dma_start3A_35, %dma_start3A_40] : memref<7x112xi32, #tpu.memory_space<vmem>> -> memref<1x112xi32, #tpu.memory_space<vmem>>
    %dma_start3A_42 = tpu.memref_squeeze %dma_start3A_41 : memref<1x112xi32, #tpu.memory_space<vmem>> -> memref<112xi32, #tpu.memory_space<vmem>>
    %dma_start3A_43 = tpu.memref_slice %arg2[%min3A_34] : memref<50000xi32, #tpu.memory_space<hbm>> -> memref<112xi32, #tpu.memory_space<hbm>>
    tpu.enqueue_dma source(%dma_start3A_43 : memref<112xi32, #tpu.memory_space<hbm>>) target(%dma_start3A_42 : memref<112xi32, #tpu.memory_space<vmem>>) target_semaphore(%arg9 : memref<!tpu.dma_semaphore, #tpu.memory_space<semaphore_mem>>)
    %add3A_44 = arith.constant 96 : i32
    %add3A_45 = arith.addi %add3A, %add3A_44 : i32
    %mul3A_46 = arith.constant 112 : i32
    %mul3A_47 = arith.muli %add3A_45, %mul3A_46 : i32
    %min3A_48 = arith.constant 49888 : i32
    %min3A_49 = arith.minsi %mul3A_47, %min3A_48 : i32
    %dma_start3A_50 = arith.constant 3 : i32
    %dma_start3A_51 = arith.constant 0 : i32
    %dma_start3A_52 = tpu.memref_slice %arg5[%dma_start3A_50, %dma_start3A_51] : memref<7x112xi32, #tpu.memory_space<vmem>> -> memref<1x112xi32, #tpu.memory_space<vmem>>
    %dma_start3A_53 = tpu.memref_squeeze %dma_start3A_52 : memref<1x112xi32, #tpu.memory_space<vmem>> -> memref<112xi32, #tpu.memory_space<vmem>>
    %dma_start3A_54 = tpu.memref_slice %arg2[%min3A_49] : memref<50000xi32, #tpu.memory_space<hbm>> -> memref<112xi32, #tpu.memory_space<hbm>>
    %dma_start3A_55 = arith.constant 0 : i32
    %dma_start3A_56 = tpu.memref_slice %arg5[%dma_start3A_50, %dma_start3A_55] : memref<7x112xi32, #tpu.memory_space<vmem>> -> memref<1x112xi32, #tpu.memory_space<vmem>>
    %dma_start3A_57 = tpu.memref_squeeze %dma_start3A_56 : memref<1x112xi32, #tpu.memory_space<vmem>> -> memref<112xi32, #tpu.memory_space<vmem>>
    %dma_start3A_58 = tpu.memref_slice %arg2[%min3A_49] : memref<50000xi32, #tpu.memory_space<hbm>> -> memref<112xi32, #tpu.memory_space<hbm>>
    tpu.enqueue_dma source(%dma_start3A_58 : memref<112xi32, #tpu.memory_space<hbm>>) target(%dma_start3A_57 : memref<112xi32, #tpu.memory_space<vmem>>) target_semaphore(%arg10 : memref<!tpu.dma_semaphore, #tpu.memory_space<semaphore_mem>>)
    %add3A_59 = arith.constant 128 : i32
    %add3A_60 = arith.addi %add3A, %add3A_59 : i32
    %mul3A_61 = arith.constant 112 : i32
    %mul3A_62 = arith.muli %add3A_60, %mul3A_61 : i32
    %min3A_63 = arith.constant 49888 : i32
    %min3A_64 = arith.minsi %mul3A_62, %min3A_63 : i32
    %dma_start3A_65 = arith.constant 4 : i32
    %dma_start3A_66 = arith.constant 0 : i32
    %dma_start3A_67 = tpu.memref_slice %arg5[%dma_start3A_65, %dma_start3A_66] : memref<7x112xi32, #tpu.memory_space<vmem>> -> memref<1x112xi32, #tpu.memory_space<vmem>>
    %dma_start3A_68 = tpu.memref_squeeze %dma_start3A_67 : memref<1x112xi32, #tpu.memory_space<vmem>> -> memref<112xi32, #tpu.memory_space<vmem>>
    %dma_start3A_69 = tpu.memref_slice %arg2[%min3A_64] : memref<50000xi32, #tpu.memory_space<hbm>> -> memref<112xi32, #tpu.memory_space<hbm>>
    %dma_start3A_70 = arith.constant 0 : i32
    %dma_start3A_71 = tpu.memref_slice %arg5[%dma_start3A_65, %dma_start3A_70] : memref<7x112xi32, #tpu.memory_space<vmem>> -> memref<1x112xi32, #tpu.memory_space<vmem>>
    %dma_start3A_72 = tpu.memref_squeeze %dma_start3A_71 : memref<1x112xi32, #tpu.memory_space<vmem>> -> memref<112xi32, #tpu.memory_space<vmem>>
    %dma_start3A_73 = tpu.memref_slice %arg2[%min3A_64] : memref<50000xi32, #tpu.memory_space<hbm>> -> memref<112xi32, #tpu.memory_space<hbm>>
    tpu.enqueue_dma source(%dma_start3A_73 : memref<112xi32, #tpu.memory_space<hbm>>) target(%dma_start3A_72 : memref<112xi32, #tpu.memory_space<vmem>>) target_semaphore(%arg11 : memref<!tpu.dma_semaphore, #tpu.memory_space<semaphore_mem>>)
    %add3A_74 = arith.constant 160 : i32
    %add3A_75 = arith.addi %add3A, %add3A_74 : i32
    %mul3A_76 = arith.constant 112 : i32
    %mul3A_77 = arith.muli %add3A_75, %mul3A_76 : i32
    %min3A_78 = arith.constant 49888 : i32
    %min3A_79 = arith.minsi %mul3A_77, %min3A_78 : i32
    %dma_start3A_80 = arith.constant 5 : i32
    %dma_start3A_81 = arith.constant 0 : i32
    %dma_start3A_82 = tpu.memref_slice %arg5[%dma_start3A_80, %dma_start3A_81] : memref<7x112xi32, #tpu.memory_space<vmem>> -> memref<1x112xi32, #tpu.memory_space<vmem>>
    %dma_start3A_83 = tpu.memref_squeeze %dma_start3A_82 : memref<1x112xi32, #tpu.memory_space<vmem>> -> memref<112xi32, #tpu.memory_space<vmem>>
    %dma_start3A_84 = tpu.memref_slice %arg2[%min3A_79] : memref<50000xi32, #tpu.memory_space<hbm>> -> memref<112xi32, #tpu.memory_space<hbm>>
    %dma_start3A_85 = arith.constant 0 : i32
    %dma_start3A_86 = tpu.memref_slice %arg5[%dma_start3A_80, %dma_start3A_85] : memref<7x112xi32, #tpu.memory_space<vmem>> -> memref<1x112xi32, #tpu.memory_space<vmem>>
    %dma_start3A_87 = tpu.memref_squeeze %dma_start3A_86 : memref<1x112xi32, #tpu.memory_space<vmem>> -> memref<112xi32, #tpu.memory_space<vmem>>
    %dma_start3A_88 = tpu.memref_slice %arg2[%min3A_79] : memref<50000xi32, #tpu.memory_space<hbm>> -> memref<112xi32, #tpu.memory_space<hbm>>
    tpu.enqueue_dma source(%dma_start3A_88 : memref<112xi32, #tpu.memory_space<hbm>>) target(%dma_start3A_87 : memref<112xi32, #tpu.memory_space<vmem>>) target_semaphore(%arg12 : memref<!tpu.dma_semaphore, #tpu.memory_space<semaphore_mem>>)
    %add3A_89 = arith.constant 192 : i32
    %add3A_90 = arith.addi %add3A, %add3A_89 : i32
    %mul3A_91 = arith.constant 112 : i32
    %mul3A_92 = arith.muli %add3A_90, %mul3A_91 : i32
    %min3A_93 = arith.constant 49888 : i32
    %min3A_94 = arith.minsi %mul3A_92, %min3A_93 : i32
    %dma_start3A_95 = arith.constant 6 : i32
    %dma_start3A_96 = arith.constant 0 : i32
    %dma_start3A_97 = tpu.memref_slice %arg5[%dma_start3A_95, %dma_start3A_96] : memref<7x112xi32, #tpu.memory_space<vmem>> -> memref<1x112xi32, #tpu.memory_space<vmem>>
    %dma_start3A_98 = tpu.memref_squeeze %dma_start3A_97 : memref<1x112xi32, #tpu.memory_space<vmem>> -> memref<112xi32, #tpu.memory_space<vmem>>
    %dma_start3A_99 = tpu.memref_slice %arg2[%min3A_94] : memref<50000xi32, #tpu.memory_space<hbm>> -> memref<112xi32, #tpu.memory_space<hbm>>
    %dma_start3A_100 = arith.constant 0 : i32
    %dma_start3A_101 = tpu.memref_slice %arg5[%dma_start3A_95, %dma_start3A_100] : memref<7x112xi32, #tpu.memory_space<vmem>> -> memref<1x112xi32, #tpu.memory_space<vmem>>
    %dma_start3A_102 = tpu.memref_squeeze %dma_start3A_101 : memref<1x112xi32, #tpu.memory_space<vmem>> -> memref<112xi32, #tpu.memory_space<vmem>>
    %dma_start3A_103 = tpu.memref_slice %arg2[%min3A_94] : memref<50000xi32, #tpu.memory_space<hbm>> -> memref<112xi32, #tpu.memory_space<hbm>>
    tpu.enqueue_dma source(%dma_start3A_103 : memref<112xi32, #tpu.memory_space<hbm>>) target(%dma_start3A_102 : memref<112xi32, #tpu.memory_space<vmem>>) target_semaphore(%arg13 : memref<!tpu.dma_semaphore, #tpu.memory_space<semaphore_mem>>)
    %dma_wait3A = arith.constant 0 : i32
    %dma_wait3A_104 = arith.constant 0 : i32
    %dma_wait3A_105 = tpu.memref_slice %arg5[%dma_wait3A, %dma_wait3A_104] : memref<7x112xi32, #tpu.memory_space<vmem>> -> memref<1x112xi32, #tpu.memory_space<vmem>>
    %dma_wait3A_106 = tpu.memref_squeeze %dma_wait3A_105 : memref<1x112xi32, #tpu.memory_space<vmem>> -> memref<112xi32, #tpu.memory_space<vmem>>
    %dma_wait3A_107 = arith.constant 0 : i32
    %dma_wait3A_108 = tpu.memref_slice %arg2[%dma_wait3A_107] : memref<50000xi32, #tpu.memory_space<hbm>> -> memref<112xi32, #tpu.memory_space<hbm>>
    %dma_wait3A_109 = arith.constant 0 : i32
    %dma_wait3A_110 = tpu.memref_slice %arg5[%dma_wait3A, %dma_wait3A_109] : memref<7x112xi32, #tpu.memory_space<vmem>> -> memref<1x112xi32, #tpu.memory_space<vmem>>
    %dma_wait3A_111 = tpu.memref_squeeze %dma_wait3A_110 : memref<1x112xi32, #tpu.memory_space<vmem>> -> memref<112xi32, #tpu.memory_space<vmem>>
    %dma_wait3A_112 = arith.constant 0 : i32
    %dma_wait3A_113 = tpu.memref_slice %arg2[%dma_wait3A_112] : memref<50000xi32, #tpu.memory_space<hbm>> -> memref<112xi32, #tpu.memory_space<hbm>>
    tpu.wait_dma2 semaphore(%arg7 : memref<!tpu.dma_semaphore, #tpu.memory_space<semaphore_mem>>) src(%dma_wait3A_113 : memref<112xi32, #tpu.memory_space<hbm>>) dst(%dma_wait3A_111 : memref<112xi32, #tpu.memory_space<vmem>>)
    %dma_start3A_114 = arith.constant 0 : i32
    %dma_start3A_115 = arith.constant 0 : i32
    %dma_start3A_116 = arith.constant 0 : i32
    %dma_start3A_117 = arith.constant 0 : i32
    %dma_start3A_118 = tpu.memref_slice %arg6[%dma_start3A_115, %dma_start3A_116, %dma_start3A_117] : memref<7x112x128xf32, #tpu.memory_space<vmem>> -> memref<1x112x128xf32, #tpu.memory_space<vmem>>
    %dma_start3A_119 = tpu.memref_squeeze %dma_start3A_118 : memref<1x112x128xf32, #tpu.memory_space<vmem>> -> memref<112x128xf32, #tpu.memory_space<vmem>>
    %dma_start3A_120 = arith.constant 0 : i32
    %dma_start3A_121 = tpu.memref_slice %arg5[%dma_start3A_114, %dma_start3A_120] : memref<7x112xi32, #tpu.memory_space<vmem>> -> memref<1x112xi32, #tpu.memory_space<vmem>>
    %dma_start3A_122 = tpu.memref_squeeze %dma_start3A_121 : memref<1x112xi32, #tpu.memory_space<vmem>> -> memref<112xi32, #tpu.memory_space<vmem>>
    %dma_start3A_123 = arith.constant 0 : i32
    %dma_start3A_124 = arith.constant 0 : i32
    %dma_start3A_125 = tpu.memref_slice %arg3[%dma_start3A_123, %dma_start3A_124] : memref<100000x128xf32, #tpu.memory_space<hbm>> -> memref<100000x128xf32, #tpu.memory_space<hbm>>
    tpu.enqueue_indirect_dma source(%dma_start3A_125 : memref<100000x128xf32, #tpu.memory_space<hbm>>) target(%dma_start3A_119 : memref<112x128xf32, #tpu.memory_space<vmem>>) offsets(%dma_start3A_122 : memref<112xi32, #tpu.memory_space<vmem>>) semaphore(%arg14 : memref<!tpu.dma_semaphore, #tpu.memory_space<semaphore_mem>>)
    %dma_wait3A_126 = arith.constant 1 : i32
    %dma_wait3A_127 = arith.constant 0 : i32
    %dma_wait3A_128 = tpu.memref_slice %arg5[%dma_wait3A_126, %dma_wait3A_127] : memref<7x112xi32, #tpu.memory_space<vmem>> -> memref<1x112xi32, #tpu.memory_space<vmem>>
    %dma_wait3A_129 = tpu.memref_squeeze %dma_wait3A_128 : memref<1x112xi32, #tpu.memory_space<vmem>> -> memref<112xi32, #tpu.memory_space<vmem>>
    %dma_wait3A_130 = arith.constant 0 : i32
    %dma_wait3A_131 = tpu.memref_slice %arg2[%dma_wait3A_130] : memref<50000xi32, #tpu.memory_space<hbm>> -> memref<112xi32, #tpu.memory_space<hbm>>
    %dma_wait3A_132 = arith.constant 0 : i32
    %dma_wait3A_133 = tpu.memref_slice %arg5[%dma_wait3A_126, %dma_wait3A_132] : memref<7x112xi32, #tpu.memory_space<vmem>> -> memref<1x112xi32, #tpu.memory_space<vmem>>
    %dma_wait3A_134 = tpu.memref_squeeze %dma_wait3A_133 : memref<1x112xi32, #tpu.memory_space<vmem>> -> memref<112xi32, #tpu.memory_space<vmem>>
    %dma_wait3A_135 = arith.constant 0 : i32
    %dma_wait3A_136 = tpu.memref_slice %arg2[%dma_wait3A_135] : memref<50000xi32, #tpu.memory_space<hbm>> -> memref<112xi32, #tpu.memory_space<hbm>>
    tpu.wait_dma2 semaphore(%arg8 : memref<!tpu.dma_semaphore, #tpu.memory_space<semaphore_mem>>) src(%dma_wait3A_136 : memref<112xi32, #tpu.memory_space<hbm>>) dst(%dma_wait3A_134 : memref<112xi32, #tpu.memory_space<vmem>>)
    %dma_start3A_137 = arith.constant 1 : i32
    %dma_start3A_138 = arith.constant 1 : i32
    %dma_start3A_139 = arith.constant 0 : i32
    %dma_start3A_140 = arith.constant 0 : i32
    %dma_start3A_141 = tpu.memref_slice %arg6[%dma_start3A_138, %dma_start3A_139, %dma_start3A_140] : memref<7x112x128xf32, #tpu.memory_space<vmem>> -> memref<1x112x128xf32, #tpu.memory_space<vmem>>
    %dma_start3A_142 = tpu.memref_squeeze %dma_start3A_141 : memref<1x112x128xf32, #tpu.memory_space<vmem>> -> memref<112x128xf32, #tpu.memory_space<vmem>>
    %dma_start3A_143 = arith.constant 0 : i32
    %dma_start3A_144 = tpu.memref_slice %arg5[%dma_start3A_137, %dma_start3A_143] : memref<7x112xi32, #tpu.memory_space<vmem>> -> memref<1x112xi32, #tpu.memory_space<vmem>>
    %dma_start3A_145 = tpu.memref_squeeze %dma_start3A_144 : memref<1x112xi32, #tpu.memory_space<vmem>> -> memref<112xi32, #tpu.memory_space<vmem>>
    %dma_start3A_146 = arith.constant 0 : i32
    %dma_start3A_147 = arith.constant 0 : i32
    %dma_start3A_148 = tpu.memref_slice %arg3[%dma_start3A_146, %dma_start3A_147] : memref<100000x128xf32, #tpu.memory_space<hbm>> -> memref<100000x128xf32, #tpu.memory_space<hbm>>
    tpu.enqueue_indirect_dma source(%dma_start3A_148 : memref<100000x128xf32, #tpu.memory_space<hbm>>) target(%dma_start3A_142 : memref<112x128xf32, #tpu.memory_space<vmem>>) offsets(%dma_start3A_145 : memref<112xi32, #tpu.memory_space<vmem>>) semaphore(%arg15 : memref<!tpu.dma_semaphore, #tpu.memory_space<semaphore_mem>>)
    %dma_wait3A_149 = arith.constant 2 : i32
    %dma_wait3A_150 = arith.constant 0 : i32
    %dma_wait3A_151 = tpu.memref_slice %arg5[%dma_wait3A_149, %dma_wait3A_150] : memref<7x112xi32, #tpu.memory_space<vmem>> -> memref<1x112xi32, #tpu.memory_space<vmem>>
    %dma_wait3A_152 = tpu.memref_squeeze %dma_wait3A_151 : memref<1x112xi32, #tpu.memory_space<vmem>> -> memref<112xi32, #tpu.memory_space<vmem>>
    %dma_wait3A_153 = arith.constant 0 : i32
    %dma_wait3A_154 = tpu.memref_slice %arg2[%dma_wait3A_153] : memref<50000xi32, #tpu.memory_space<hbm>> -> memref<112xi32, #tpu.memory_space<hbm>>
    %dma_wait3A_155 = arith.constant 0 : i32
    %dma_wait3A_156 = tpu.memref_slice %arg5[%dma_wait3A_149, %dma_wait3A_155] : memref<7x112xi32, #tpu.memory_space<vmem>> -> memref<1x112xi32, #tpu.memory_space<vmem>>
    %dma_wait3A_157 = tpu.memref_squeeze %dma_wait3A_156 : memref<1x112xi32, #tpu.memory_space<vmem>> -> memref<112xi32, #tpu.memory_space<vmem>>
    %dma_wait3A_158 = arith.constant 0 : i32
    %dma_wait3A_159 = tpu.memref_slice %arg2[%dma_wait3A_158] : memref<50000xi32, #tpu.memory_space<hbm>> -> memref<112xi32, #tpu.memory_space<hbm>>
    tpu.wait_dma2 semaphore(%arg9 : memref<!tpu.dma_semaphore, #tpu.memory_space<semaphore_mem>>) src(%dma_wait3A_159 : memref<112xi32, #tpu.memory_space<hbm>>) dst(%dma_wait3A_157 : memref<112xi32, #tpu.memory_space<vmem>>)
    %dma_start3A_160 = arith.constant 2 : i32
    %dma_start3A_161 = arith.constant 2 : i32
    %dma_start3A_162 = arith.constant 0 : i32
    %dma_start3A_163 = arith.constant 0 : i32
    %dma_start3A_164 = tpu.memref_slice %arg6[%dma_start3A_161, %dma_start3A_162, %dma_start3A_163] : memref<7x112x128xf32, #tpu.memory_space<vmem>> -> memref<1x112x128xf32, #tpu.memory_space<vmem>>
    %dma_start3A_165 = tpu.memref_squeeze %dma_start3A_164 : memref<1x112x128xf32, #tpu.memory_space<vmem>> -> memref<112x128xf32, #tpu.memory_space<vmem>>
    %dma_start3A_166 = arith.constant 0 : i32
    %dma_start3A_167 = tpu.memref_slice %arg5[%dma_start3A_160, %dma_start3A_166] : memref<7x112xi32, #tpu.memory_space<vmem>> -> memref<1x112xi32, #tpu.memory_space<vmem>>
    %dma_start3A_168 = tpu.memref_squeeze %dma_start3A_167 : memref<1x112xi32, #tpu.memory_space<vmem>> -> memref<112xi32, #tpu.memory_space<vmem>>
    %dma_start3A_169 = arith.constant 0 : i32
    %dma_start3A_170 = arith.constant 0 : i32
    %dma_start3A_171 = tpu.memref_slice %arg3[%dma_start3A_169, %dma_start3A_170] : memref<100000x128xf32, #tpu.memory_space<hbm>> -> memref<100000x128xf32, #tpu.memory_space<hbm>>
    tpu.enqueue_indirect_dma source(%dma_start3A_171 : memref<100000x128xf32, #tpu.memory_space<hbm>>) target(%dma_start3A_165 : memref<112x128xf32, #tpu.memory_space<vmem>>) offsets(%dma_start3A_168 : memref<112xi32, #tpu.memory_space<vmem>>) semaphore(%arg16 : memref<!tpu.dma_semaphore, #tpu.memory_space<semaphore_mem>>)
    %dma_wait3A_172 = arith.constant 3 : i32
    %dma_wait3A_173 = arith.constant 0 : i32
    %dma_wait3A_174 = tpu.memref_slice %arg5[%dma_wait3A_172, %dma_wait3A_173] : memref<7x112xi32, #tpu.memory_space<vmem>> -> memref<1x112xi32, #tpu.memory_space<vmem>>
    %dma_wait3A_175 = tpu.memref_squeeze %dma_wait3A_174 : memref<1x112xi32, #tpu.memory_space<vmem>> -> memref<112xi32, #tpu.memory_space<vmem>>
    %dma_wait3A_176 = arith.constant 0 : i32
    %dma_wait3A_177 = tpu.memref_slice %arg2[%dma_wait3A_176] : memref<50000xi32, #tpu.memory_space<hbm>> -> memref<112xi32, #tpu.memory_space<hbm>>
    %dma_wait3A_178 = arith.constant 0 : i32
    %dma_wait3A_179 = tpu.memref_slice %arg5[%dma_wait3A_172, %dma_wait3A_178] : memref<7x112xi32, #tpu.memory_space<vmem>> -> memref<1x112xi32, #tpu.memory_space<vmem>>
    %dma_wait3A_180 = tpu.memref_squeeze %dma_wait3A_179 : memref<1x112xi32, #tpu.memory_space<vmem>> -> memref<112xi32, #tpu.memory_space<vmem>>
    %dma_wait3A_181 = arith.constant 0 : i32
    %dma_wait3A_182 = tpu.memref_slice %arg2[%dma_wait3A_181] : memref<50000xi32, #tpu.memory_space<hbm>> -> memref<112xi32, #tpu.memory_space<hbm>>
    tpu.wait_dma2 semaphore(%arg10 : memref<!tpu.dma_semaphore, #tpu.memory_space<semaphore_mem>>) src(%dma_wait3A_182 : memref<112xi32, #tpu.memory_space<hbm>>) dst(%dma_wait3A_180 : memref<112xi32, #tpu.memory_space<vmem>>)
    %dma_start3A_183 = arith.constant 3 : i32
    %dma_start3A_184 = arith.constant 3 : i32
    %dma_start3A_185 = arith.constant 0 : i32
    %dma_start3A_186 = arith.constant 0 : i32
    %dma_start3A_187 = tpu.memref_slice %arg6[%dma_start3A_184, %dma_start3A_185, %dma_start3A_186] : memref<7x112x128xf32, #tpu.memory_space<vmem>> -> memref<1x112x128xf32, #tpu.memory_space<vmem>>
    %dma_start3A_188 = tpu.memref_squeeze %dma_start3A_187 : memref<1x112x128xf32, #tpu.memory_space<vmem>> -> memref<112x128xf32, #tpu.memory_space<vmem>>
    %dma_start3A_189 = arith.constant 0 : i32
    %dma_start3A_190 = tpu.memref_slice %arg5[%dma_start3A_183, %dma_start3A_189] : memref<7x112xi32, #tpu.memory_space<vmem>> -> memref<1x112xi32, #tpu.memory_space<vmem>>
    %dma_start3A_191 = tpu.memref_squeeze %dma_start3A_190 : memref<1x112xi32, #tpu.memory_space<vmem>> -> memref<112xi32, #tpu.memory_space<vmem>>
    %dma_start3A_192 = arith.constant 0 : i32
    %dma_start3A_193 = arith.constant 0 : i32
    %dma_start3A_194 = tpu.memref_slice %arg3[%dma_start3A_192, %dma_start3A_193] : memref<100000x128xf32, #tpu.memory_space<hbm>> -> memref<100000x128xf32, #tpu.memory_space<hbm>>
    tpu.enqueue_indirect_dma source(%dma_start3A_194 : memref<100000x128xf32, #tpu.memory_space<hbm>>) target(%dma_start3A_188 : memref<112x128xf32, #tpu.memory_space<vmem>>) offsets(%dma_start3A_191 : memref<112xi32, #tpu.memory_space<vmem>>) semaphore(%arg17 : memref<!tpu.dma_semaphore, #tpu.memory_space<semaphore_mem>>)
    %dma_wait3A_195 = arith.constant 4 : i32
    %dma_wait3A_196 = arith.constant 0 : i32
    %dma_wait3A_197 = tpu.memref_slice %arg5[%dma_wait3A_195, %dma_wait3A_196] : memref<7x112xi32, #tpu.memory_space<vmem>> -> memref<1x112xi32, #tpu.memory_space<vmem>>
    %dma_wait3A_198 = tpu.memref_squeeze %dma_wait3A_197 : memref<1x112xi32, #tpu.memory_space<vmem>> -> memref<112xi32, #tpu.memory_space<vmem>>
    %dma_wait3A_199 = arith.constant 0 : i32
    %dma_wait3A_200 = tpu.memref_slice %arg2[%dma_wait3A_199] : memref<50000xi32, #tpu.memory_space<hbm>> -> memref<112xi32, #tpu.memory_space<hbm>>
    %dma_wait3A_201 = arith.constant 0 : i32
    %dma_wait3A_202 = tpu.memref_slice %arg5[%dma_wait3A_195, %dma_wait3A_201] : memref<7x112xi32, #tpu.memory_space<vmem>> -> memref<1x112xi32, #tpu.memory_space<vmem>>
    %dma_wait3A_203 = tpu.memref_squeeze %dma_wait3A_202 : memref<1x112xi32, #tpu.memory_space<vmem>> -> memref<112xi32, #tpu.memory_space<vmem>>
    %dma_wait3A_204 = arith.constant 0 : i32
    %dma_wait3A_205 = tpu.memref_slice %arg2[%dma_wait3A_204] : memref<50000xi32, #tpu.memory_space<hbm>> -> memref<112xi32, #tpu.memory_space<hbm>>
    tpu.wait_dma2 semaphore(%arg11 : memref<!tpu.dma_semaphore, #tpu.memory_space<semaphore_mem>>) src(%dma_wait3A_205 : memref<112xi32, #tpu.memory_space<hbm>>) dst(%dma_wait3A_203 : memref<112xi32, #tpu.memory_space<vmem>>)
    %dma_start3A_206 = arith.constant 4 : i32
    %dma_start3A_207 = arith.constant 4 : i32
    %dma_start3A_208 = arith.constant 0 : i32
    %dma_start3A_209 = arith.constant 0 : i32
    %dma_start3A_210 = tpu.memref_slice %arg6[%dma_start3A_207, %dma_start3A_208, %dma_start3A_209] : memref<7x112x128xf32, #tpu.memory_space<vmem>> -> memref<1x112x128xf32, #tpu.memory_space<vmem>>
    %dma_start3A_211 = tpu.memref_squeeze %dma_start3A_210 : memref<1x112x128xf32, #tpu.memory_space<vmem>> -> memref<112x128xf32, #tpu.memory_space<vmem>>
    %dma_start3A_212 = arith.constant 0 : i32
    %dma_start3A_213 = tpu.memref_slice %arg5[%dma_start3A_206, %dma_start3A_212] : memref<7x112xi32, #tpu.memory_space<vmem>> -> memref<1x112xi32, #tpu.memory_space<vmem>>
    %dma_start3A_214 = tpu.memref_squeeze %dma_start3A_213 : memref<1x112xi32, #tpu.memory_space<vmem>> -> memref<112xi32, #tpu.memory_space<vmem>>
    %dma_start3A_215 = arith.constant 0 : i32
    %dma_start3A_216 = arith.constant 0 : i32
    %dma_start3A_217 = tpu.memref_slice %arg3[%dma_start3A_215, %dma_start3A_216] : memref<100000x128xf32, #tpu.memory_space<hbm>> -> memref<100000x128xf32, #tpu.memory_space<hbm>>
    tpu.enqueue_indirect_dma source(%dma_start3A_217 : memref<100000x128xf32, #tpu.memory_space<hbm>>) target(%dma_start3A_211 : memref<112x128xf32, #tpu.memory_space<vmem>>) offsets(%dma_start3A_214 : memref<112xi32, #tpu.memory_space<vmem>>) semaphore(%arg18 : memref<!tpu.dma_semaphore, #tpu.memory_space<semaphore_mem>>)
    %scan3A = arith.constant 0 : i32
    %scan3A_218 = arith.constant 2 : i32
    %scan3A_219 = arith.addi %scan3A, %scan3A_218 : i32
    %scan3A_220 = arith.constant 1 : i32
    scf.for %scan3A_327 = %scan3A to %scan3A_219 step %scan3A_220  : i32 {
      %mul3A_328 = arith.constant 7 : i32
      %mul3A_329 = arith.muli %mul3A_328, %scan3A_327 : i32
      %add3A_330 = arith.constant 0 : i32
      %add3A_331 = arith.addi %mul3A_329, %add3A_330 : i32
      %dma_wait3A_332 = arith.constant 0 : i32
      %dma_wait3A_333 = arith.constant 0 : i32
      %dma_wait3A_334 = arith.constant 0 : i32
      %dma_wait3A_335 = arith.constant 0 : i32
      %dma_wait3A_336 = tpu.memref_slice %arg6[%dma_wait3A_333, %dma_wait3A_334, %dma_wait3A_335] : memref<7x112x128xf32, #tpu.memory_space<vmem>> -> memref<1x112x128xf32, #tpu.memory_space<vmem>>
      %dma_wait3A_337 = tpu.memref_squeeze %dma_wait3A_336 : memref<1x112x128xf32, #tpu.memory_space<vmem>> -> memref<112x128xf32, #tpu.memory_space<vmem>>
      %dma_wait3A_338 = arith.constant 0 : i32
      %dma_wait3A_339 = tpu.memref_slice %arg5[%dma_wait3A_332, %dma_wait3A_338] : memref<7x112xi32, #tpu.memory_space<vmem>> -> memref<1x112xi32, #tpu.memory_space<vmem>>
      %dma_wait3A_340 = tpu.memref_squeeze %dma_wait3A_339 : memref<1x112xi32, #tpu.memory_space<vmem>> -> memref<112xi32, #tpu.memory_space<vmem>>
      %dma_wait3A_341 = arith.constant 0 : i32
      %dma_wait3A_342 = arith.constant 0 : i32
      %dma_wait3A_343 = tpu.memref_slice %arg3[%dma_wait3A_341, %dma_wait3A_342] : memref<100000x128xf32, #tpu.memory_space<hbm>> -> memref<100000x128xf32, #tpu.memory_space<hbm>>
      tpu.wait_indirect_dma semaphore(%arg14 : memref<!tpu.dma_semaphore, #tpu.memory_space<semaphore_mem>>) src(%dma_wait3A_343 : memref<100000x128xf32, #tpu.memory_space<hbm>>) dst(%dma_wait3A_337 : memref<112x128xf32, #tpu.memory_space<vmem>>)
      %mul3A_344 = arith.constant 32 : i32
      %mul3A_345 = arith.muli %mul3A_344, %add3A_331 : i32
      %add3A_346 = arith.addi %add3A, %mul3A_345 : i32
      %mul3A_347 = arith.constant 112 : i32
      %mul3A_348 = arith.muli %add3A_346, %mul3A_347 : i32
      %min3A_349 = arith.constant 49888 : i32
      %min3A_350 = arith.minsi %mul3A_348, %min3A_349 : i32
      %dma_start3A_351 = arith.constant 0 : i32
      %dma_start3A_352 = arith.constant 0 : i32
      %dma_start3A_353 = arith.constant 0 : i32
      %dma_start3A_354 = tpu.memref_slice %arg6[%dma_start3A_351, %dma_start3A_352, %dma_start3A_353] : memref<7x112x128xf32, #tpu.memory_space<vmem>> -> memref<1x112x128xf32, #tpu.memory_space<vmem>>
      %dma_start3A_355 = tpu.memref_squeeze %dma_start3A_354 : memref<1x112x128xf32, #tpu.memory_space<vmem>> -> memref<112x128xf32, #tpu.memory_space<vmem>>
      %dma_start3A_356 = arith.constant 0 : i32
      %dma_start3A_357 = tpu.memref_slice %arg4[%min3A_350, %dma_start3A_356] : memref<50000x128xf32, #tpu.memory_space<hbm>> -> memref<112x128xf32, #tpu.memory_space<hbm>>
      %dma_start3A_358 = arith.constant 0 : i32
      %dma_start3A_359 = tpu.memref_slice %arg4[%min3A_350, %dma_start3A_358] : memref<50000x128xf32, #tpu.memory_space<hbm>> -> memref<112x128xf32, #tpu.memory_space<hbm>>
      %dma_start3A_360 = arith.constant 0 : i32
      %dma_start3A_361 = arith.constant 0 : i32
      %dma_start3A_362 = tpu.memref_slice %arg6[%dma_start3A_351, %dma_start3A_360, %dma_start3A_361] : memref<7x112x128xf32, #tpu.memory_space<vmem>> -> memref<1x112x128xf32, #tpu.memory_space<vmem>>
      %dma_start3A_363 = tpu.memref_squeeze %dma_start3A_362 : memref<1x112x128xf32, #tpu.memory_space<vmem>> -> memref<112x128xf32, #tpu.memory_space<vmem>>
      tpu.enqueue_dma source(%dma_start3A_363 : memref<112x128xf32, #tpu.memory_space<vmem>>) target(%dma_start3A_359 : memref<112x128xf32, #tpu.memory_space<hbm>>) target_semaphore(%arg21 : memref<!tpu.dma_semaphore, #tpu.memory_space<semaphore_mem>>)
      %add3A_364 = arith.constant 5 : i32
      %add3A_365 = arith.addi %add3A_331, %add3A_364 : i32
      %lt3A = arith.constant 14 : i32
      %lt3A_366 = arith.cmpi slt, %add3A_365, %lt3A : i32
      %convert_element_type3A = arith.extui %lt3A_366 : i1 to i32
      %cond3A = arith.constant 0 : i32
      %cond3A_367 = arith.cmpi ne, %convert_element_type3A, %cond3A : i32
      scf.if %cond3A_367 {
        %ge3A = arith.constant 2 : i32
        %ge3A_675 = arith.cmpi sge, %add3A_331, %ge3A : i32
        %convert_element_type3A_676 = arith.extui %ge3A_675 : i1 to i32
        %cond3A_677 = arith.constant 0 : i32
        %cond3A_678 = arith.cmpi ne, %convert_element_type3A_676, %cond3A_677 : i32
        scf.if %cond3A_678 {
          %dma_wait3A_702 = arith.constant 5 : i32
          %dma_wait3A_703 = arith.constant 0 : i32
          %dma_wait3A_704 = arith.constant 0 : i32
          %dma_wait3A_705 = tpu.memref_slice %arg6[%dma_wait3A_702, %dma_wait3A_703, %dma_wait3A_704] : memref<7x112x128xf32, #tpu.memory_space<vmem>> -> memref<1x112x128xf32, #tpu.memory_space<vmem>>
          %dma_wait3A_706 = tpu.memref_squeeze %dma_wait3A_705 : memref<1x112x128xf32, #tpu.memory_space<vmem>> -> memref<112x128xf32, #tpu.memory_space<vmem>>
          %dma_wait3A_707 = arith.constant 0 : i32
          %dma_wait3A_708 = arith.constant 0 : i32
          %dma_wait3A_709 = tpu.memref_slice %arg4[%dma_wait3A_707, %dma_wait3A_708] : memref<50000x128xf32, #tpu.memory_space<hbm>> -> memref<112x128xf32, #tpu.memory_space<hbm>>
          %dma_wait3A_710 = arith.constant 0 : i32
          %dma_wait3A_711 = arith.constant 0 : i32
          %dma_wait3A_712 = tpu.memref_slice %arg4[%dma_wait3A_710, %dma_wait3A_711] : memref<50000x128xf32, #tpu.memory_space<hbm>> -> memref<112x128xf32, #tpu.memory_space<hbm>>
          %dma_wait3A_713 = arith.constant 0 : i32
          %dma_wait3A_714 = arith.constant 0 : i32
          %dma_wait3A_715 = tpu.memref_slice %arg6[%dma_wait3A_702, %dma_wait3A_713, %dma_wait3A_714] : memref<7x112x128xf32, #tpu.memory_space<vmem>> -> memref<1x112x128xf32, #tpu.memory_space<vmem>>
          %dma_wait3A_716 = tpu.memref_squeeze %dma_wait3A_715 : memref<1x112x128xf32, #tpu.memory_space<vmem>> -> memref<112x128xf32, #tpu.memory_space<vmem>>
          tpu.wait_dma2 semaphore(%arg26 : memref<!tpu.dma_semaphore, #tpu.memory_space<semaphore_mem>>) src(%dma_wait3A_716 : memref<112x128xf32, #tpu.memory_space<vmem>>) dst(%dma_wait3A_712 : memref<112x128xf32, #tpu.memory_space<hbm>>)
        } else {
        }
        %dma_wait3A_679 = arith.constant 5 : i32
        %dma_wait3A_680 = arith.constant 0 : i32
        %dma_wait3A_681 = tpu.memref_slice %arg5[%dma_wait3A_679, %dma_wait3A_680] : memref<7x112xi32, #tpu.memory_space<vmem>> -> memref<1x112xi32, #tpu.memory_space<vmem>>
        %dma_wait3A_682 = tpu.memref_squeeze %dma_wait3A_681 : memref<1x112xi32, #tpu.memory_space<vmem>> -> memref<112xi32, #tpu.memory_space<vmem>>
        %dma_wait3A_683 = arith.constant 0 : i32
        %dma_wait3A_684 = tpu.memref_slice %arg2[%dma_wait3A_683] : memref<50000xi32, #tpu.memory_space<hbm>> -> memref<112xi32, #tpu.memory_space<hbm>>
        %dma_wait3A_685 = arith.constant 0 : i32
        %dma_wait3A_686 = tpu.memref_slice %arg5[%dma_wait3A_679, %dma_wait3A_685] : memref<7x112xi32, #tpu.memory_space<vmem>> -> memref<1x112xi32, #tpu.memory_space<vmem>>
        %dma_wait3A_687 = tpu.memref_squeeze %dma_wait3A_686 : memref<1x112xi32, #tpu.memory_space<vmem>> -> memref<112xi32, #tpu.memory_space<vmem>>
        %dma_wait3A_688 = arith.constant 0 : i32
        %dma_wait3A_689 = tpu.memref_slice %arg2[%dma_wait3A_688] : memref<50000xi32, #tpu.memory_space<hbm>> -> memref<112xi32, #tpu.memory_space<hbm>>
        tpu.wait_dma2 semaphore(%arg12 : memref<!tpu.dma_semaphore, #tpu.memory_space<semaphore_mem>>) src(%dma_wait3A_689 : memref<112xi32, #tpu.memory_space<hbm>>) dst(%dma_wait3A_687 : memref<112xi32, #tpu.memory_space<vmem>>)
        %dma_start3A_690 = arith.constant 5 : i32
        %dma_start3A_691 = arith.constant 5 : i32
        %dma_start3A_692 = arith.constant 0 : i32
        %dma_start3A_693 = arith.constant 0 : i32
        %dma_start3A_694 = tpu.memref_slice %arg6[%dma_start3A_691, %dma_start3A_692, %dma_start3A_693] : memref<7x112x128xf32, #tpu.memory_space<vmem>> -> memref<1x112x128xf32, #tpu.memory_space<vmem>>
        %dma_start3A_695 = tpu.memref_squeeze %dma_start3A_694 : memref<1x112x128xf32, #tpu.memory_space<vmem>> -> memref<112x128xf32, #tpu.memory_space<vmem>>
        %dma_start3A_696 = arith.constant 0 : i32
        %dma_start3A_697 = tpu.memref_slice %arg5[%dma_start3A_690, %dma_start3A_696] : memref<7x112xi32, #tpu.memory_space<vmem>> -> memref<1x112xi32, #tpu.memory_space<vmem>>
        %dma_start3A_698 = tpu.memref_squeeze %dma_start3A_697 : memref<1x112xi32, #tpu.memory_space<vmem>> -> memref<112xi32, #tpu.memory_space<vmem>>
        %dma_start3A_699 = arith.constant 0 : i32
        %dma_start3A_700 = arith.constant 0 : i32
        %dma_start3A_701 = tpu.memref_slice %arg3[%dma_start3A_699, %dma_start3A_700] : memref<100000x128xf32, #tpu.memory_space<hbm>> -> memref<100000x128xf32, #tpu.memory_space<hbm>>
        tpu.enqueue_indirect_dma source(%dma_start3A_701 : memref<100000x128xf32, #tpu.memory_space<hbm>>) target(%dma_start3A_695 : memref<112x128xf32, #tpu.memory_space<vmem>>) offsets(%dma_start3A_698 : memref<112xi32, #tpu.memory_space<vmem>>) semaphore(%arg19 : memref<!tpu.dma_semaphore, #tpu.memory_space<semaphore_mem>>)
      } else {
      }
      %add3A_368 = arith.constant 7 : i32
      %add3A_369 = arith.addi %add3A_331, %add3A_368 : i32
      %lt3A_370 = arith.constant 14 : i32
      %lt3A_371 = arith.cmpi slt, %add3A_369, %lt3A_370 : i32
      %convert_element_type3A_372 = arith.extui %lt3A_371 : i1 to i32
      %cond3A_373 = arith.constant 0 : i32
      %cond3A_374 = arith.cmpi ne, %convert_element_type3A_372, %cond3A_373 : i32
      scf.if %cond3A_374 {
        %add3A_675 = arith.constant 7 : i32
        %add3A_676 = arith.addi %add3A_331, %add3A_675 : i32
        %mul3A_677 = arith.constant 32 : i32
        %mul3A_678 = arith.muli %mul3A_677, %add3A_676 : i32
        %add3A_679 = arith.addi %add3A, %mul3A_678 : i32
        %mul3A_680 = arith.constant 112 : i32
        %mul3A_681 = arith.muli %add3A_679, %mul3A_680 : i32
        %min3A_682 = arith.constant 49888 : i32
        %min3A_683 = arith.minsi %mul3A_681, %min3A_682 : i32
        %dma_start3A_684 = arith.constant 0 : i32
        %dma_start3A_685 = arith.constant 0 : i32
        %dma_start3A_686 = tpu.memref_slice %arg5[%dma_start3A_684, %dma_start3A_685] : memref<7x112xi32, #tpu.memory_space<vmem>> -> memref<1x112xi32, #tpu.memory_space<vmem>>
        %dma_start3A_687 = tpu.memref_squeeze %dma_start3A_686 : memref<1x112xi32, #tpu.memory_space<vmem>> -> memref<112xi32, #tpu.memory_space<vmem>>
        %dma_start3A_688 = tpu.memref_slice %arg2[%min3A_683] : memref<50000xi32, #tpu.memory_space<hbm>> -> memref<112xi32, #tpu.memory_space<hbm>>
        %dma_start3A_689 = arith.constant 0 : i32
        %dma_start3A_690 = tpu.memref_slice %arg5[%dma_start3A_684, %dma_start3A_689] : memref<7x112xi32, #tpu.memory_space<vmem>> -> memref<1x112xi32, #tpu.memory_space<vmem>>
        %dma_start3A_691 = tpu.memref_squeeze %dma_start3A_690 : memref<1x112xi32, #tpu.memory_space<vmem>> -> memref<112xi32, #tpu.memory_space<vmem>>
        %dma_start3A_692 = tpu.memref_slice %arg2[%min3A_683] : memref<50000xi32, #tpu.memory_space<hbm>> -> memref<112xi32, #tpu.memory_space<hbm>>
        tpu.enqueue_dma source(%dma_start3A_692 : memref<112xi32, #tpu.memory_space<hbm>>) target(%dma_start3A_691 : memref<112xi32, #tpu.memory_space<vmem>>) target_semaphore(%arg7 : memref<!tpu.dma_semaphore, #tpu.memory_space<semaphore_mem>>)
      } else {
      }
      %mul3A_375 = arith.constant 7 : i32
      %mul3A_376 = arith.muli %mul3A_375, %scan3A_327 : i32
      %add3A_377 = arith.constant 1 : i32
      %add3A_378 = arith.addi %mul3A_376, %add3A_377 : i32
      %dma_wait3A_379 = arith.constant 1 : i32
      %dma_wait3A_380 = arith.constant 1 : i32
      %dma_wait3A_381 = arith.constant 0 : i32
      %dma_wait3A_382 = arith.constant 0 : i32
      %dma_wait3A_383 = tpu.memref_slice %arg6[%dma_wait3A_380, %dma_wait3A_381, %dma_wait3A_382] : memref<7x112x128xf32, #tpu.memory_space<vmem>> -> memref<1x112x128xf32, #tpu.memory_space<vmem>>
      %dma_wait3A_384 = tpu.memref_squeeze %dma_wait3A_383 : memref<1x112x128xf32, #tpu.memory_space<vmem>> -> memref<112x128xf32, #tpu.memory_space<vmem>>
      %dma_wait3A_385 = arith.constant 0 : i32
      %dma_wait3A_386 = tpu.memref_slice %arg5[%dma_wait3A_379, %dma_wait3A_385] : memref<7x112xi32, #tpu.memory_space<vmem>> -> memref<1x112xi32, #tpu.memory_space<vmem>>
      %dma_wait3A_387 = tpu.memref_squeeze %dma_wait3A_386 : memref<1x112xi32, #tpu.memory_space<vmem>> -> memref<112xi32, #tpu.memory_space<vmem>>
      %dma_wait3A_388 = arith.constant 0 : i32
      %dma_wait3A_389 = arith.constant 0 : i32
      %dma_wait3A_390 = tpu.memref_slice %arg3[%dma_wait3A_388, %dma_wait3A_389] : memref<100000x128xf32, #tpu.memory_space<hbm>> -> memref<100000x128xf32, #tpu.memory_space<hbm>>
      tpu.wait_indirect_dma semaphore(%arg15 : memref<!tpu.dma_semaphore, #tpu.memory_space<semaphore_mem>>) src(%dma_wait3A_390 : memref<100000x128xf32, #tpu.memory_space<hbm>>) dst(%dma_wait3A_384 : memref<112x128xf32, #tpu.memory_space<vmem>>)
      %mul3A_391 = arith.constant 32 : i32
      %mul3A_392 = arith.muli %mul3A_391, %add3A_378 : i32
      %add3A_393 = arith.addi %add3A, %mul3A_392 : i32
      %mul3A_394 = arith.constant 112 : i32
      %mul3A_395 = arith.muli %add3A_393, %mul3A_394 : i32
      %min3A_396 = arith.constant 49888 : i32
      %min3A_397 = arith.minsi %mul3A_395, %min3A_396 : i32
      %dma_start3A_398 = arith.constant 1 : i32
      %dma_start3A_399 = arith.constant 0 : i32
      %dma_start3A_400 = arith.constant 0 : i32
      %dma_start3A_401 = tpu.memref_slice %arg6[%dma_start3A_398, %dma_start3A_399, %dma_start3A_400] : memref<7x112x128xf32, #tpu.memory_space<vmem>> -> memref<1x112x128xf32, #tpu.memory_space<vmem>>
      %dma_start3A_402 = tpu.memref_squeeze %dma_start3A_401 : memref<1x112x128xf32, #tpu.memory_space<vmem>> -> memref<112x128xf32, #tpu.memory_space<vmem>>
      %dma_start3A_403 = arith.constant 0 : i32
      %dma_start3A_404 = tpu.memref_slice %arg4[%min3A_397, %dma_start3A_403] : memref<50000x128xf32, #tpu.memory_space<hbm>> -> memref<112x128xf32, #tpu.memory_space<hbm>>
      %dma_start3A_405 = arith.constant 0 : i32
      %dma_start3A_406 = tpu.memref_slice %arg4[%min3A_397, %dma_start3A_405] : memref<50000x128xf32, #tpu.memory_space<hbm>> -> memref<112x128xf32, #tpu.memory_space<hbm>>
      %dma_start3A_407 = arith.constant 0 : i32
      %dma_start3A_408 = arith.constant 0 : i32
      %dma_start3A_409 = tpu.memref_slice %arg6[%dma_start3A_398, %dma_start3A_407, %dma_start3A_408] : memref<7x112x128xf32, #tpu.memory_space<vmem>> -> memref<1x112x128xf32, #tpu.memory_space<vmem>>
      %dma_start3A_410 = tpu.memref_squeeze %dma_start3A_409 : memref<1x112x128xf32, #tpu.memory_space<vmem>> -> memref<112x128xf32, #tpu.memory_space<vmem>>
      tpu.enqueue_dma source(%dma_start3A_410 : memref<112x128xf32, #tpu.memory_space<vmem>>) target(%dma_start3A_406 : memref<112x128xf32, #tpu.memory_space<hbm>>) target_semaphore(%arg22 : memref<!tpu.dma_semaphore, #tpu.memory_space<semaphore_mem>>)
      %add3A_411 = arith.constant 5 : i32
      %add3A_412 = arith.addi %add3A_378, %add3A_411 : i32
      %lt3A_413 = arith.constant 14 : i32
      %lt3A_414 = arith.cmpi slt, %add3A_412, %lt3A_413 : i32
      %convert_element_type3A_415 = arith.extui %lt3A_414 : i1 to i32
      %cond3A_416 = arith.constant 0 : i32
      %cond3A_417 = arith.cmpi ne, %convert_element_type3A_415, %cond3A_416 : i32
      scf.if %cond3A_417 {
        %ge3A = arith.constant 2 : i32
        %ge3A_675 = arith.cmpi sge, %add3A_378, %ge3A : i32
        %convert_element_type3A_676 = arith.extui %ge3A_675 : i1 to i32
        %cond3A_677 = arith.constant 0 : i32
        %cond3A_678 = arith.cmpi ne, %convert_element_type3A_676, %cond3A_677 : i32
        scf.if %cond3A_678 {
          %dma_wait3A_702 = arith.constant 6 : i32
          %dma_wait3A_703 = arith.constant 0 : i32
          %dma_wait3A_704 = arith.constant 0 : i32
          %dma_wait3A_705 = tpu.memref_slice %arg6[%dma_wait3A_702, %dma_wait3A_703, %dma_wait3A_704] : memref<7x112x128xf32, #tpu.memory_space<vmem>> -> memref<1x112x128xf32, #tpu.memory_space<vmem>>
          %dma_wait3A_706 = tpu.memref_squeeze %dma_wait3A_705 : memref<1x112x128xf32, #tpu.memory_space<vmem>> -> memref<112x128xf32, #tpu.memory_space<vmem>>
          %dma_wait3A_707 = arith.constant 0 : i32
          %dma_wait3A_708 = arith.constant 0 : i32
          %dma_wait3A_709 = tpu.memref_slice %arg4[%dma_wait3A_707, %dma_wait3A_708] : memref<50000x128xf32, #tpu.memory_space<hbm>> -> memref<112x128xf32, #tpu.memory_space<hbm>>
          %dma_wait3A_710 = arith.constant 0 : i32
          %dma_wait3A_711 = arith.constant 0 : i32
          %dma_wait3A_712 = tpu.memref_slice %arg4[%dma_wait3A_710, %dma_wait3A_711] : memref<50000x128xf32, #tpu.memory_space<hbm>> -> memref<112x128xf32, #tpu.memory_space<hbm>>
          %dma_wait3A_713 = arith.constant 0 : i32
          %dma_wait3A_714 = arith.constant 0 : i32
          %dma_wait3A_715 = tpu.memref_slice %arg6[%dma_wait3A_702, %dma_wait3A_713, %dma_wait3A_714] : memref<7x112x128xf32, #tpu.memory_space<vmem>> -> memref<1x112x128xf32, #tpu.memory_space<vmem>>
          %dma_wait3A_716 = tpu.memref_squeeze %dma_wait3A_715 : memref<1x112x128xf32, #tpu.memory_space<vmem>> -> memref<112x128xf32, #tpu.memory_space<vmem>>
          tpu.wait_dma2 semaphore(%arg27 : memref<!tpu.dma_semaphore, #tpu.memory_space<semaphore_mem>>) src(%dma_wait3A_716 : memref<112x128xf32, #tpu.memory_space<vmem>>) dst(%dma_wait3A_712 : memref<112x128xf32, #tpu.memory_space<hbm>>)
        } else {
        }
        %dma_wait3A_679 = arith.constant 6 : i32
        %dma_wait3A_680 = arith.constant 0 : i32
        %dma_wait3A_681 = tpu.memref_slice %arg5[%dma_wait3A_679, %dma_wait3A_680] : memref<7x112xi32, #tpu.memory_space<vmem>> -> memref<1x112xi32, #tpu.memory_space<vmem>>
        %dma_wait3A_682 = tpu.memref_squeeze %dma_wait3A_681 : memref<1x112xi32, #tpu.memory_space<vmem>> -> memref<112xi32, #tpu.memory_space<vmem>>
        %dma_wait3A_683 = arith.constant 0 : i32
        %dma_wait3A_684 = tpu.memref_slice %arg2[%dma_wait3A_683] : memref<50000xi32, #tpu.memory_space<hbm>> -> memref<112xi32, #tpu.memory_space<hbm>>
        %dma_wait3A_685 = arith.constant 0 : i32
        %dma_wait3A_686 = tpu.memref_slice %arg5[%dma_wait3A_679, %dma_wait3A_685] : memref<7x112xi32, #tpu.memory_space<vmem>> -> memref<1x112xi32, #tpu.memory_space<vmem>>
        %dma_wait3A_687 = tpu.memref_squeeze %dma_wait3A_686 : memref<1x112xi32, #tpu.memory_space<vmem>> -> memref<112xi32, #tpu.memory_space<vmem>>
        %dma_wait3A_688 = arith.constant 0 : i32
        %dma_wait3A_689 = tpu.memref_slice %arg2[%dma_wait3A_688] : memref<50000xi32, #tpu.memory_space<hbm>> -> memref<112xi32, #tpu.memory_space<hbm>>
        tpu.wait_dma2 semaphore(%arg13 : memref<!tpu.dma_semaphore, #tpu.memory_space<semaphore_mem>>) src(%dma_wait3A_689 : memref<112xi32, #tpu.memory_space<hbm>>) dst(%dma_wait3A_687 : memref<112xi32, #tpu.memory_space<vmem>>)
        %dma_start3A_690 = arith.constant 6 : i32
        %dma_start3A_691 = arith.constant 6 : i32
        %dma_start3A_692 = arith.constant 0 : i32
        %dma_start3A_693 = arith.constant 0 : i32
        %dma_start3A_694 = tpu.memref_slice %arg6[%dma_start3A_691, %dma_start3A_692, %dma_start3A_693] : memref<7x112x128xf32, #tpu.memory_space<vmem>> -> memref<1x112x128xf32, #tpu.memory_space<vmem>>
        %dma_start3A_695 = tpu.memref_squeeze %dma_start3A_694 : memref<1x112x128xf32, #tpu.memory_space<vmem>> -> memref<112x128xf32, #tpu.memory_space<vmem>>
        %dma_start3A_696 = arith.constant 0 : i32
        %dma_start3A_697 = tpu.memref_slice %arg5[%dma_start3A_690, %dma_start3A_696] : memref<7x112xi32, #tpu.memory_space<vmem>> -> memref<1x112xi32, #tpu.memory_space<vmem>>
        %dma_start3A_698 = tpu.memref_squeeze %dma_start3A_697 : memref<1x112xi32, #tpu.memory_space<vmem>> -> memref<112xi32, #tpu.memory_space<vmem>>
        %dma_start3A_699 = arith.constant 0 : i32
        %dma_start3A_700 = arith.constant 0 : i32
        %dma_start3A_701 = tpu.memref_slice %arg3[%dma_start3A_699, %dma_start3A_700] : memref<100000x128xf32, #tpu.memory_space<hbm>> -> memref<100000x128xf32, #tpu.memory_space<hbm>>
        tpu.enqueue_indirect_dma source(%dma_start3A_701 : memref<100000x128xf32, #tpu.memory_space<hbm>>) target(%dma_start3A_695 : memref<112x128xf32, #tpu.memory_space<vmem>>) offsets(%dma_start3A_698 : memref<112xi32, #tpu.memory_space<vmem>>) semaphore(%arg20 : memref<!tpu.dma_semaphore, #tpu.memory_space<semaphore_mem>>)
      } else {
      }
      %add3A_418 = arith.constant 7 : i32
      %add3A_419 = arith.addi %add3A_378, %add3A_418 : i32
      %lt3A_420 = arith.constant 14 : i32
      %lt3A_421 = arith.cmpi slt, %add3A_419, %lt3A_420 : i32
      %convert_element_type3A_422 = arith.extui %lt3A_421 : i1 to i32
      %cond3A_423 = arith.constant 0 : i32
      %cond3A_424 = arith.cmpi ne, %convert_element_type3A_422, %cond3A_423 : i32
      scf.if %cond3A_424 {
        %add3A_675 = arith.constant 7 : i32
        %add3A_676 = arith.addi %add3A_378, %add3A_675 : i32
        %mul3A_677 = arith.constant 32 : i32
        %mul3A_678 = arith.muli %mul3A_677, %add3A_676 : i32
        %add3A_679 = arith.addi %add3A, %mul3A_678 : i32
        %mul3A_680 = arith.constant 112 : i32
        %mul3A_681 = arith.muli %add3A_679, %mul3A_680 : i32
        %min3A_682 = arith.constant 49888 : i32
        %min3A_683 = arith.minsi %mul3A_681, %min3A_682 : i32
        %dma_start3A_684 = arith.constant 1 : i32
        %dma_start3A_685 = arith.constant 0 : i32
        %dma_start3A_686 = tpu.memref_slice %arg5[%dma_start3A_684, %dma_start3A_685] : memref<7x112xi32, #tpu.memory_space<vmem>> -> memref<1x112xi32, #tpu.memory_space<vmem>>
        %dma_start3A_687 = tpu.memref_squeeze %dma_start3A_686 : memref<1x112xi32, #tpu.memory_space<vmem>> -> memref<112xi32, #tpu.memory_space<vmem>>
        %dma_start3A_688 = tpu.memref_slice %arg2[%min3A_683] : memref<50000xi32, #tpu.memory_space<hbm>> -> memref<112xi32, #tpu.memory_space<hbm>>
        %dma_start3A_689 = arith.constant 0 : i32
        %dma_start3A_690 = tpu.memref_slice %arg5[%dma_start3A_684, %dma_start3A_689] : memref<7x112xi32, #tpu.memory_space<vmem>> -> memref<1x112xi32, #tpu.memory_space<vmem>>
        %dma_start3A_691 = tpu.memref_squeeze %dma_start3A_690 : memref<1x112xi32, #tpu.memory_space<vmem>> -> memref<112xi32, #tpu.memory_space<vmem>>
        %dma_start3A_692 = tpu.memref_slice %arg2[%min3A_683] : memref<50000xi32, #tpu.memory_space<hbm>> -> memref<112xi32, #tpu.memory_space<hbm>>
        tpu.enqueue_dma source(%dma_start3A_692 : memref<112xi32, #tpu.memory_space<hbm>>) target(%dma_start3A_691 : memref<112xi32, #tpu.memory_space<vmem>>) target_semaphore(%arg8 : memref<!tpu.dma_semaphore, #tpu.memory_space<semaphore_mem>>)
      } else {
      }
      %mul3A_425 = arith.constant 7 : i32
      %mul3A_426 = arith.muli %mul3A_425, %scan3A_327 : i32
      %add3A_427 = arith.constant 2 : i32
      %add3A_428 = arith.addi %mul3A_426, %add3A_427 : i32
      %dma_wait3A_429 = arith.constant 2 : i32
      %dma_wait3A_430 = arith.constant 2 : i32
      %dma_wait3A_431 = arith.constant 0 : i32
      %dma_wait3A_432 = arith.constant 0 : i32
      %dma_wait3A_433 = tpu.memref_slice %arg6[%dma_wait3A_430, %dma_wait3A_431, %dma_wait3A_432] : memref<7x112x128xf32, #tpu.memory_space<vmem>> -> memref<1x112x128xf32, #tpu.memory_space<vmem>>
      %dma_wait3A_434 = tpu.memref_squeeze %dma_wait3A_433 : memref<1x112x128xf32, #tpu.memory_space<vmem>> -> memref<112x128xf32, #tpu.memory_space<vmem>>
      %dma_wait3A_435 = arith.constant 0 : i32
      %dma_wait3A_436 = tpu.memref_slice %arg5[%dma_wait3A_429, %dma_wait3A_435] : memref<7x112xi32, #tpu.memory_space<vmem>> -> memref<1x112xi32, #tpu.memory_space<vmem>>
      %dma_wait3A_437 = tpu.memref_squeeze %dma_wait3A_436 : memref<1x112xi32, #tpu.memory_space<vmem>> -> memref<112xi32, #tpu.memory_space<vmem>>
      %dma_wait3A_438 = arith.constant 0 : i32
      %dma_wait3A_439 = arith.constant 0 : i32
      %dma_wait3A_440 = tpu.memref_slice %arg3[%dma_wait3A_438, %dma_wait3A_439] : memref<100000x128xf32, #tpu.memory_space<hbm>> -> memref<100000x128xf32, #tpu.memory_space<hbm>>
      tpu.wait_indirect_dma semaphore(%arg16 : memref<!tpu.dma_semaphore, #tpu.memory_space<semaphore_mem>>) src(%dma_wait3A_440 : memref<100000x128xf32, #tpu.memory_space<hbm>>) dst(%dma_wait3A_434 : memref<112x128xf32, #tpu.memory_space<vmem>>)
      %mul3A_441 = arith.constant 32 : i32
      %mul3A_442 = arith.muli %mul3A_441, %add3A_428 : i32
      %add3A_443 = arith.addi %add3A, %mul3A_442 : i32
      %mul3A_444 = arith.constant 112 : i32
      %mul3A_445 = arith.muli %add3A_443, %mul3A_444 : i32
      %min3A_446 = arith.constant 49888 : i32
      %min3A_447 = arith.minsi %mul3A_445, %min3A_446 : i32
      %dma_start3A_448 = arith.constant 2 : i32
      %dma_start3A_449 = arith.constant 0 : i32
      %dma_start3A_450 = arith.constant 0 : i32
      %dma_start3A_451 = tpu.memref_slice %arg6[%dma_start3A_448, %dma_start3A_449, %dma_start3A_450] : memref<7x112x128xf32, #tpu.memory_space<vmem>> -> memref<1x112x128xf32, #tpu.memory_space<vmem>>
      %dma_start3A_452 = tpu.memref_squeeze %dma_start3A_451 : memref<1x112x128xf32, #tpu.memory_space<vmem>> -> memref<112x128xf32, #tpu.memory_space<vmem>>
      %dma_start3A_453 = arith.constant 0 : i32
      %dma_start3A_454 = tpu.memref_slice %arg4[%min3A_447, %dma_start3A_453] : memref<50000x128xf32, #tpu.memory_space<hbm>> -> memref<112x128xf32, #tpu.memory_space<hbm>>
      %dma_start3A_455 = arith.constant 0 : i32
      %dma_start3A_456 = tpu.memref_slice %arg4[%min3A_447, %dma_start3A_455] : memref<50000x128xf32, #tpu.memory_space<hbm>> -> memref<112x128xf32, #tpu.memory_space<hbm>>
      %dma_start3A_457 = arith.constant 0 : i32
      %dma_start3A_458 = arith.constant 0 : i32
      %dma_start3A_459 = tpu.memref_slice %arg6[%dma_start3A_448, %dma_start3A_457, %dma_start3A_458] : memref<7x112x128xf32, #tpu.memory_space<vmem>> -> memref<1x112x128xf32, #tpu.memory_space<vmem>>
      %dma_start3A_460 = tpu.memref_squeeze %dma_start3A_459 : memref<1x112x128xf32, #tpu.memory_space<vmem>> -> memref<112x128xf32, #tpu.memory_space<vmem>>
      tpu.enqueue_dma source(%dma_start3A_460 : memref<112x128xf32, #tpu.memory_space<vmem>>) target(%dma_start3A_456 : memref<112x128xf32, #tpu.memory_space<hbm>>) target_semaphore(%arg23 : memref<!tpu.dma_semaphore, #tpu.memory_space<semaphore_mem>>)
      %add3A_461 = arith.constant 5 : i32
      %add3A_462 = arith.addi %add3A_428, %add3A_461 : i32
      %lt3A_463 = arith.constant 14 : i32
      %lt3A_464 = arith.cmpi slt, %add3A_462, %lt3A_463 : i32
      %convert_element_type3A_465 = arith.extui %lt3A_464 : i1 to i32
      %cond3A_466 = arith.constant 0 : i32
      %cond3A_467 = arith.cmpi ne, %convert_element_type3A_465, %cond3A_466 : i32
      scf.if %cond3A_467 {
        %ge3A = arith.constant 2 : i32
        %ge3A_675 = arith.cmpi sge, %add3A_428, %ge3A : i32
        %convert_element_type3A_676 = arith.extui %ge3A_675 : i1 to i32
        %cond3A_677 = arith.constant 0 : i32
        %cond3A_678 = arith.cmpi ne, %convert_element_type3A_676, %cond3A_677 : i32
        scf.if %cond3A_678 {
          %dma_wait3A_702 = arith.constant 0 : i32
          %dma_wait3A_703 = arith.constant 0 : i32
          %dma_wait3A_704 = arith.constant 0 : i32
          %dma_wait3A_705 = tpu.memref_slice %arg6[%dma_wait3A_702, %dma_wait3A_703, %dma_wait3A_704] : memref<7x112x128xf32, #tpu.memory_space<vmem>> -> memref<1x112x128xf32, #tpu.memory_space<vmem>>
          %dma_wait3A_706 = tpu.memref_squeeze %dma_wait3A_705 : memref<1x112x128xf32, #tpu.memory_space<vmem>> -> memref<112x128xf32, #tpu.memory_space<vmem>>
          %dma_wait3A_707 = arith.constant 0 : i32
          %dma_wait3A_708 = arith.constant 0 : i32
          %dma_wait3A_709 = tpu.memref_slice %arg4[%dma_wait3A_707, %dma_wait3A_708] : memref<50000x128xf32, #tpu.memory_space<hbm>> -> memref<112x128xf32, #tpu.memory_space<hbm>>
          %dma_wait3A_710 = arith.constant 0 : i32
          %dma_wait3A_711 = arith.constant 0 : i32
          %dma_wait3A_712 = tpu.memref_slice %arg4[%dma_wait3A_710, %dma_wait3A_711] : memref<50000x128xf32, #tpu.memory_space<hbm>> -> memref<112x128xf32, #tpu.memory_space<hbm>>
          %dma_wait3A_713 = arith.constant 0 : i32
          %dma_wait3A_714 = arith.constant 0 : i32
          %dma_wait3A_715 = tpu.memref_slice %arg6[%dma_wait3A_702, %dma_wait3A_713, %dma_wait3A_714] : memref<7x112x128xf32, #tpu.memory_space<vmem>> -> memref<1x112x128xf32, #tpu.memory_space<vmem>>
          %dma_wait3A_716 = tpu.memref_squeeze %dma_wait3A_715 : memref<1x112x128xf32, #tpu.memory_space<vmem>> -> memref<112x128xf32, #tpu.memory_space<vmem>>
          tpu.wait_dma2 semaphore(%arg21 : memref<!tpu.dma_semaphore, #tpu.memory_space<semaphore_mem>>) src(%dma_wait3A_716 : memref<112x128xf32, #tpu.memory_space<vmem>>) dst(%dma_wait3A_712 : memref<112x128xf32, #tpu.memory_space<hbm>>)
        } else {
        }
        %dma_wait3A_679 = arith.constant 0 : i32
        %dma_wait3A_680 = arith.constant 0 : i32
        %dma_wait3A_681 = tpu.memref_slice %arg5[%dma_wait3A_679, %dma_wait3A_680] : memref<7x112xi32, #tpu.memory_space<vmem>> -> memref<1x112xi32, #tpu.memory_space<vmem>>
        %dma_wait3A_682 = tpu.memref_squeeze %dma_wait3A_681 : memref<1x112xi32, #tpu.memory_space<vmem>> -> memref<112xi32, #tpu.memory_space<vmem>>
        %dma_wait3A_683 = arith.constant 0 : i32
        %dma_wait3A_684 = tpu.memref_slice %arg2[%dma_wait3A_683] : memref<50000xi32, #tpu.memory_space<hbm>> -> memref<112xi32, #tpu.memory_space<hbm>>
        %dma_wait3A_685 = arith.constant 0 : i32
        %dma_wait3A_686 = tpu.memref_slice %arg5[%dma_wait3A_679, %dma_wait3A_685] : memref<7x112xi32, #tpu.memory_space<vmem>> -> memref<1x112xi32, #tpu.memory_space<vmem>>
        %dma_wait3A_687 = tpu.memref_squeeze %dma_wait3A_686 : memref<1x112xi32, #tpu.memory_space<vmem>> -> memref<112xi32, #tpu.memory_space<vmem>>
        %dma_wait3A_688 = arith.constant 0 : i32
        %dma_wait3A_689 = tpu.memref_slice %arg2[%dma_wait3A_688] : memref<50000xi32, #tpu.memory_space<hbm>> -> memref<112xi32, #tpu.memory_space<hbm>>
        tpu.wait_dma2 semaphore(%arg7 : memref<!tpu.dma_semaphore, #tpu.memory_space<semaphore_mem>>) src(%dma_wait3A_689 : memref<112xi32, #tpu.memory_space<hbm>>) dst(%dma_wait3A_687 : memref<112xi32, #tpu.memory_space<vmem>>)
        %dma_start3A_690 = arith.constant 0 : i32
        %dma_start3A_691 = arith.constant 0 : i32
        %dma_start3A_692 = arith.constant 0 : i32
        %dma_start3A_693 = arith.constant 0 : i32
        %dma_start3A_694 = tpu.memref_slice %arg6[%dma_start3A_691, %dma_start3A_692, %dma_start3A_693] : memref<7x112x128xf32, #tpu.memory_space<vmem>> -> memref<1x112x128xf32, #tpu.memory_space<vmem>>
        %dma_start3A_695 = tpu.memref_squeeze %dma_start3A_694 : memref<1x112x128xf32, #tpu.memory_space<vmem>> -> memref<112x128xf32, #tpu.memory_space<vmem>>
        %dma_start3A_696 = arith.constant 0 : i32
        %dma_start3A_697 = tpu.memref_slice %arg5[%dma_start3A_690, %dma_start3A_696] : memref<7x112xi32, #tpu.memory_space<vmem>> -> memref<1x112xi32, #tpu.memory_space<vmem>>
        %dma_start3A_698 = tpu.memref_squeeze %dma_start3A_697 : memref<1x112xi32, #tpu.memory_space<vmem>> -> memref<112xi32, #tpu.memory_space<vmem>>
        %dma_start3A_699 = arith.constant 0 : i32
        %dma_start3A_700 = arith.constant 0 : i32
        %dma_start3A_701 = tpu.memref_slice %arg3[%dma_start3A_699, %dma_start3A_700] : memref<100000x128xf32, #tpu.memory_space<hbm>> -> memref<100000x128xf32, #tpu.memory_space<hbm>>
        tpu.enqueue_indirect_dma source(%dma_start3A_701 : memref<100000x128xf32, #tpu.memory_space<hbm>>) target(%dma_start3A_695 : memref<112x128xf32, #tpu.memory_space<vmem>>) offsets(%dma_start3A_698 : memref<112xi32, #tpu.memory_space<vmem>>) semaphore(%arg14 : memref<!tpu.dma_semaphore, #tpu.memory_space<semaphore_mem>>)
      } else {
      }
      %add3A_468 = arith.constant 7 : i32
      %add3A_469 = arith.addi %add3A_428, %add3A_468 : i32
      %lt3A_470 = arith.constant 14 : i32
      %lt3A_471 = arith.cmpi slt, %add3A_469, %lt3A_470 : i32
      %convert_element_type3A_472 = arith.extui %lt3A_471 : i1 to i32
      %cond3A_473 = arith.constant 0 : i32
      %cond3A_474 = arith.cmpi ne, %convert_element_type3A_472, %cond3A_473 : i32
      scf.if %cond3A_474 {
        %add3A_675 = arith.constant 7 : i32
        %add3A_676 = arith.addi %add3A_428, %add3A_675 : i32
        %mul3A_677 = arith.constant 32 : i32
        %mul3A_678 = arith.muli %mul3A_677, %add3A_676 : i32
        %add3A_679 = arith.addi %add3A, %mul3A_678 : i32
        %mul3A_680 = arith.constant 112 : i32
        %mul3A_681 = arith.muli %add3A_679, %mul3A_680 : i32
        %min3A_682 = arith.constant 49888 : i32
        %min3A_683 = arith.minsi %mul3A_681, %min3A_682 : i32
        %dma_start3A_684 = arith.constant 2 : i32
        %dma_start3A_685 = arith.constant 0 : i32
        %dma_start3A_686 = tpu.memref_slice %arg5[%dma_start3A_684, %dma_start3A_685] : memref<7x112xi32, #tpu.memory_space<vmem>> -> memref<1x112xi32, #tpu.memory_space<vmem>>
        %dma_start3A_687 = tpu.memref_squeeze %dma_start3A_686 : memref<1x112xi32, #tpu.memory_space<vmem>> -> memref<112xi32, #tpu.memory_space<vmem>>
        %dma_start3A_688 = tpu.memref_slice %arg2[%min3A_683] : memref<50000xi32, #tpu.memory_space<hbm>> -> memref<112xi32, #tpu.memory_space<hbm>>
        %dma_start3A_689 = arith.constant 0 : i32
        %dma_start3A_690 = tpu.memref_slice %arg5[%dma_start3A_684, %dma_start3A_689] : memref<7x112xi32, #tpu.memory_space<vmem>> -> memref<1x112xi32, #tpu.memory_space<vmem>>
        %dma_start3A_691 = tpu.memref_squeeze %dma_start3A_690 : memref<1x112xi32, #tpu.memory_space<vmem>> -> memref<112xi32, #tpu.memory_space<vmem>>
        %dma_start3A_692 = tpu.memref_slice %arg2[%min3A_683] : memref<50000xi32, #tpu.memory_space<hbm>> -> memref<112xi32, #tpu.memory_space<hbm>>
        tpu.enqueue_dma source(%dma_start3A_692 : memref<112xi32, #tpu.memory_space<hbm>>) target(%dma_start3A_691 : memref<112xi32, #tpu.memory_space<vmem>>) target_semaphore(%arg9 : memref<!tpu.dma_semaphore, #tpu.memory_space<semaphore_mem>>)
      } else {
      }
      %mul3A_475 = arith.constant 7 : i32
      %mul3A_476 = arith.muli %mul3A_475, %scan3A_327 : i32
      %add3A_477 = arith.constant 3 : i32
      %add3A_478 = arith.addi %mul3A_476, %add3A_477 : i32
      %dma_wait3A_479 = arith.constant 3 : i32
      %dma_wait3A_480 = arith.constant 3 : i32
      %dma_wait3A_481 = arith.constant 0 : i32
      %dma_wait3A_482 = arith.constant 0 : i32
      %dma_wait3A_483 = tpu.memref_slice %arg6[%dma_wait3A_480, %dma_wait3A_481, %dma_wait3A_482] : memref<7x112x128xf32, #tpu.memory_space<vmem>> -> memref<1x112x128xf32, #tpu.memory_space<vmem>>
      %dma_wait3A_484 = tpu.memref_squeeze %dma_wait3A_483 : memref<1x112x128xf32, #tpu.memory_space<vmem>> -> memref<112x128xf32, #tpu.memory_space<vmem>>
      %dma_wait3A_485 = arith.constant 0 : i32
      %dma_wait3A_486 = tpu.memref_slice %arg5[%dma_wait3A_479, %dma_wait3A_485] : memref<7x112xi32, #tpu.memory_space<vmem>> -> memref<1x112xi32, #tpu.memory_space<vmem>>
      %dma_wait3A_487 = tpu.memref_squeeze %dma_wait3A_486 : memref<1x112xi32, #tpu.memory_space<vmem>> -> memref<112xi32, #tpu.memory_space<vmem>>
      %dma_wait3A_488 = arith.constant 0 : i32
      %dma_wait3A_489 = arith.constant 0 : i32
      %dma_wait3A_490 = tpu.memref_slice %arg3[%dma_wait3A_488, %dma_wait3A_489] : memref<100000x128xf32, #tpu.memory_space<hbm>> -> memref<100000x128xf32, #tpu.memory_space<hbm>>
      tpu.wait_indirect_dma semaphore(%arg17 : memref<!tpu.dma_semaphore, #tpu.memory_space<semaphore_mem>>) src(%dma_wait3A_490 : memref<100000x128xf32, #tpu.memory_space<hbm>>) dst(%dma_wait3A_484 : memref<112x128xf32, #tpu.memory_space<vmem>>)
      %mul3A_491 = arith.constant 32 : i32
      %mul3A_492 = arith.muli %mul3A_491, %add3A_478 : i32
      %add3A_493 = arith.addi %add3A, %mul3A_492 : i32
      %mul3A_494 = arith.constant 112 : i32
      %mul3A_495 = arith.muli %add3A_493, %mul3A_494 : i32
      %min3A_496 = arith.constant 49888 : i32
      %min3A_497 = arith.minsi %mul3A_495, %min3A_496 : i32
      %dma_start3A_498 = arith.constant 3 : i32
      %dma_start3A_499 = arith.constant 0 : i32
      %dma_start3A_500 = arith.constant 0 : i32
      %dma_start3A_501 = tpu.memref_slice %arg6[%dma_start3A_498, %dma_start3A_499, %dma_start3A_500] : memref<7x112x128xf32, #tpu.memory_space<vmem>> -> memref<1x112x128xf32, #tpu.memory_space<vmem>>
      %dma_start3A_502 = tpu.memref_squeeze %dma_start3A_501 : memref<1x112x128xf32, #tpu.memory_space<vmem>> -> memref<112x128xf32, #tpu.memory_space<vmem>>
      %dma_start3A_503 = arith.constant 0 : i32
      %dma_start3A_504 = tpu.memref_slice %arg4[%min3A_497, %dma_start3A_503] : memref<50000x128xf32, #tpu.memory_space<hbm>> -> memref<112x128xf32, #tpu.memory_space<hbm>>
      %dma_start3A_505 = arith.constant 0 : i32
      %dma_start3A_506 = tpu.memref_slice %arg4[%min3A_497, %dma_start3A_505] : memref<50000x128xf32, #tpu.memory_space<hbm>> -> memref<112x128xf32, #tpu.memory_space<hbm>>
      %dma_start3A_507 = arith.constant 0 : i32
      %dma_start3A_508 = arith.constant 0 : i32
      %dma_start3A_509 = tpu.memref_slice %arg6[%dma_start3A_498, %dma_start3A_507, %dma_start3A_508] : memref<7x112x128xf32, #tpu.memory_space<vmem>> -> memref<1x112x128xf32, #tpu.memory_space<vmem>>
      %dma_start3A_510 = tpu.memref_squeeze %dma_start3A_509 : memref<1x112x128xf32, #tpu.memory_space<vmem>> -> memref<112x128xf32, #tpu.memory_space<vmem>>
      tpu.enqueue_dma source(%dma_start3A_510 : memref<112x128xf32, #tpu.memory_space<vmem>>) target(%dma_start3A_506 : memref<112x128xf32, #tpu.memory_space<hbm>>) target_semaphore(%arg24 : memref<!tpu.dma_semaphore, #tpu.memory_space<semaphore_mem>>)
      %add3A_511 = arith.constant 5 : i32
      %add3A_512 = arith.addi %add3A_478, %add3A_511 : i32
      %lt3A_513 = arith.constant 14 : i32
      %lt3A_514 = arith.cmpi slt, %add3A_512, %lt3A_513 : i32
      %convert_element_type3A_515 = arith.extui %lt3A_514 : i1 to i32
      %cond3A_516 = arith.constant 0 : i32
      %cond3A_517 = arith.cmpi ne, %convert_element_type3A_515, %cond3A_516 : i32
      scf.if %cond3A_517 {
        %ge3A = arith.constant 2 : i32
        %ge3A_675 = arith.cmpi sge, %add3A_478, %ge3A : i32
        %convert_element_type3A_676 = arith.extui %ge3A_675 : i1 to i32
        %cond3A_677 = arith.constant 0 : i32
        %cond3A_678 = arith.cmpi ne, %convert_element_type3A_676, %cond3A_677 : i32
        scf.if %cond3A_678 {
          %dma_wait3A_702 = arith.constant 1 : i32
          %dma_wait3A_703 = arith.constant 0 : i32
          %dma_wait3A_704 = arith.constant 0 : i32
          %dma_wait3A_705 = tpu.memref_slice %arg6[%dma_wait3A_702, %dma_wait3A_703, %dma_wait3A_704] : memref<7x112x128xf32, #tpu.memory_space<vmem>> -> memref<1x112x128xf32, #tpu.memory_space<vmem>>
          %dma_wait3A_706 = tpu.memref_squeeze %dma_wait3A_705 : memref<1x112x128xf32, #tpu.memory_space<vmem>> -> memref<112x128xf32, #tpu.memory_space<vmem>>
          %dma_wait3A_707 = arith.constant 0 : i32
          %dma_wait3A_708 = arith.constant 0 : i32
          %dma_wait3A_709 = tpu.memref_slice %arg4[%dma_wait3A_707, %dma_wait3A_708] : memref<50000x128xf32, #tpu.memory_space<hbm>> -> memref<112x128xf32, #tpu.memory_space<hbm>>
          %dma_wait3A_710 = arith.constant 0 : i32
          %dma_wait3A_711 = arith.constant 0 : i32
          %dma_wait3A_712 = tpu.memref_slice %arg4[%dma_wait3A_710, %dma_wait3A_711] : memref<50000x128xf32, #tpu.memory_space<hbm>> -> memref<112x128xf32, #tpu.memory_space<hbm>>
          %dma_wait3A_713 = arith.constant 0 : i32
          %dma_wait3A_714 = arith.constant 0 : i32
          %dma_wait3A_715 = tpu.memref_slice %arg6[%dma_wait3A_702, %dma_wait3A_713, %dma_wait3A_714] : memref<7x112x128xf32, #tpu.memory_space<vmem>> -> memref<1x112x128xf32, #tpu.memory_space<vmem>>
          %dma_wait3A_716 = tpu.memref_squeeze %dma_wait3A_715 : memref<1x112x128xf32, #tpu.memory_space<vmem>> -> memref<112x128xf32, #tpu.memory_space<vmem>>
          tpu.wait_dma2 semaphore(%arg22 : memref<!tpu.dma_semaphore, #tpu.memory_space<semaphore_mem>>) src(%dma_wait3A_716 : memref<112x128xf32, #tpu.memory_space<vmem>>) dst(%dma_wait3A_712 : memref<112x128xf32, #tpu.memory_space<hbm>>)
        } else {
        }
        %dma_wait3A_679 = arith.constant 1 : i32
        %dma_wait3A_680 = arith.constant 0 : i32
        %dma_wait3A_681 = tpu.memref_slice %arg5[%dma_wait3A_679, %dma_wait3A_680] : memref<7x112xi32, #tpu.memory_space<vmem>> -> memref<1x112xi32, #tpu.memory_space<vmem>>
        %dma_wait3A_682 = tpu.memref_squeeze %dma_wait3A_681 : memref<1x112xi32, #tpu.memory_space<vmem>> -> memref<112xi32, #tpu.memory_space<vmem>>
        %dma_wait3A_683 = arith.constant 0 : i32
        %dma_wait3A_684 = tpu.memref_slice %arg2[%dma_wait3A_683] : memref<50000xi32, #tpu.memory_space<hbm>> -> memref<112xi32, #tpu.memory_space<hbm>>
        %dma_wait3A_685 = arith.constant 0 : i32
        %dma_wait3A_686 = tpu.memref_slice %arg5[%dma_wait3A_679, %dma_wait3A_685] : memref<7x112xi32, #tpu.memory_space<vmem>> -> memref<1x112xi32, #tpu.memory_space<vmem>>
        %dma_wait3A_687 = tpu.memref_squeeze %dma_wait3A_686 : memref<1x112xi32, #tpu.memory_space<vmem>> -> memref<112xi32, #tpu.memory_space<vmem>>
        %dma_wait3A_688 = arith.constant 0 : i32
        %dma_wait3A_689 = tpu.memref_slice %arg2[%dma_wait3A_688] : memref<50000xi32, #tpu.memory_space<hbm>> -> memref<112xi32, #tpu.memory_space<hbm>>
        tpu.wait_dma2 semaphore(%arg8 : memref<!tpu.dma_semaphore, #tpu.memory_space<semaphore_mem>>) src(%dma_wait3A_689 : memref<112xi32, #tpu.memory_space<hbm>>) dst(%dma_wait3A_687 : memref<112xi32, #tpu.memory_space<vmem>>)
        %dma_start3A_690 = arith.constant 1 : i32
        %dma_start3A_691 = arith.constant 1 : i32
        %dma_start3A_692 = arith.constant 0 : i32
        %dma_start3A_693 = arith.constant 0 : i32
        %dma_start3A_694 = tpu.memref_slice %arg6[%dma_start3A_691, %dma_start3A_692, %dma_start3A_693] : memref<7x112x128xf32, #tpu.memory_space<vmem>> -> memref<1x112x128xf32, #tpu.memory_space<vmem>>
        %dma_start3A_695 = tpu.memref_squeeze %dma_start3A_694 : memref<1x112x128xf32, #tpu.memory_space<vmem>> -> memref<112x128xf32, #tpu.memory_space<vmem>>
        %dma_start3A_696 = arith.constant 0 : i32
        %dma_start3A_697 = tpu.memref_slice %arg5[%dma_start3A_690, %dma_start3A_696] : memref<7x112xi32, #tpu.memory_space<vmem>> -> memref<1x112xi32, #tpu.memory_space<vmem>>
        %dma_start3A_698 = tpu.memref_squeeze %dma_start3A_697 : memref<1x112xi32, #tpu.memory_space<vmem>> -> memref<112xi32, #tpu.memory_space<vmem>>
        %dma_start3A_699 = arith.constant 0 : i32
        %dma_start3A_700 = arith.constant 0 : i32
        %dma_start3A_701 = tpu.memref_slice %arg3[%dma_start3A_699, %dma_start3A_700] : memref<100000x128xf32, #tpu.memory_space<hbm>> -> memref<100000x128xf32, #tpu.memory_space<hbm>>
        tpu.enqueue_indirect_dma source(%dma_start3A_701 : memref<100000x128xf32, #tpu.memory_space<hbm>>) target(%dma_start3A_695 : memref<112x128xf32, #tpu.memory_space<vmem>>) offsets(%dma_start3A_698 : memref<112xi32, #tpu.memory_space<vmem>>) semaphore(%arg15 : memref<!tpu.dma_semaphore, #tpu.memory_space<semaphore_mem>>)
      } else {
      }
      %add3A_518 = arith.constant 7 : i32
      %add3A_519 = arith.addi %add3A_478, %add3A_518 : i32
      %lt3A_520 = arith.constant 14 : i32
      %lt3A_521 = arith.cmpi slt, %add3A_519, %lt3A_520 : i32
      %convert_element_type3A_522 = arith.extui %lt3A_521 : i1 to i32
      %cond3A_523 = arith.constant 0 : i32
      %cond3A_524 = arith.cmpi ne, %convert_element_type3A_522, %cond3A_523 : i32
      scf.if %cond3A_524 {
        %add3A_675 = arith.constant 7 : i32
        %add3A_676 = arith.addi %add3A_478, %add3A_675 : i32
        %mul3A_677 = arith.constant 32 : i32
        %mul3A_678 = arith.muli %mul3A_677, %add3A_676 : i32
        %add3A_679 = arith.addi %add3A, %mul3A_678 : i32
        %mul3A_680 = arith.constant 112 : i32
        %mul3A_681 = arith.muli %add3A_679, %mul3A_680 : i32
        %min3A_682 = arith.constant 49888 : i32
        %min3A_683 = arith.minsi %mul3A_681, %min3A_682 : i32
        %dma_start3A_684 = arith.constant 3 : i32
        %dma_start3A_685 = arith.constant 0 : i32
        %dma_start3A_686 = tpu.memref_slice %arg5[%dma_start3A_684, %dma_start3A_685] : memref<7x112xi32, #tpu.memory_space<vmem>> -> memref<1x112xi32, #tpu.memory_space<vmem>>
        %dma_start3A_687 = tpu.memref_squeeze %dma_start3A_686 : memref<1x112xi32, #tpu.memory_space<vmem>> -> memref<112xi32, #tpu.memory_space<vmem>>
        %dma_start3A_688 = tpu.memref_slice %arg2[%min3A_683] : memref<50000xi32, #tpu.memory_space<hbm>> -> memref<112xi32, #tpu.memory_space<hbm>>
        %dma_start3A_689 = arith.constant 0 : i32
        %dma_start3A_690 = tpu.memref_slice %arg5[%dma_start3A_684, %dma_start3A_689] : memref<7x112xi32, #tpu.memory_space<vmem>> -> memref<1x112xi32, #tpu.memory_space<vmem>>
        %dma_start3A_691 = tpu.memref_squeeze %dma_start3A_690 : memref<1x112xi32, #tpu.memory_space<vmem>> -> memref<112xi32, #tpu.memory_space<vmem>>
        %dma_start3A_692 = tpu.memref_slice %arg2[%min3A_683] : memref<50000xi32, #tpu.memory_space<hbm>> -> memref<112xi32, #tpu.memory_space<hbm>>
        tpu.enqueue_dma source(%dma_start3A_692 : memref<112xi32, #tpu.memory_space<hbm>>) target(%dma_start3A_691 : memref<112xi32, #tpu.memory_space<vmem>>) target_semaphore(%arg10 : memref<!tpu.dma_semaphore, #tpu.memory_space<semaphore_mem>>)
      } else {
      }
      %mul3A_525 = arith.constant 7 : i32
      %mul3A_526 = arith.muli %mul3A_525, %scan3A_327 : i32
      %add3A_527 = arith.constant 4 : i32
      %add3A_528 = arith.addi %mul3A_526, %add3A_527 : i32
      %dma_wait3A_529 = arith.constant 4 : i32
      %dma_wait3A_530 = arith.constant 4 : i32
      %dma_wait3A_531 = arith.constant 0 : i32
      %dma_wait3A_532 = arith.constant 0 : i32
      %dma_wait3A_533 = tpu.memref_slice %arg6[%dma_wait3A_530, %dma_wait3A_531, %dma_wait3A_532] : memref<7x112x128xf32, #tpu.memory_space<vmem>> -> memref<1x112x128xf32, #tpu.memory_space<vmem>>
      %dma_wait3A_534 = tpu.memref_squeeze %dma_wait3A_533 : memref<1x112x128xf32, #tpu.memory_space<vmem>> -> memref<112x128xf32, #tpu.memory_space<vmem>>
      %dma_wait3A_535 = arith.constant 0 : i32
      %dma_wait3A_536 = tpu.memref_slice %arg5[%dma_wait3A_529, %dma_wait3A_535] : memref<7x112xi32, #tpu.memory_space<vmem>> -> memref<1x112xi32, #tpu.memory_space<vmem>>
      %dma_wait3A_537 = tpu.memref_squeeze %dma_wait3A_536 : memref<1x112xi32, #tpu.memory_space<vmem>> -> memref<112xi32, #tpu.memory_space<vmem>>
      %dma_wait3A_538 = arith.constant 0 : i32
      %dma_wait3A_539 = arith.constant 0 : i32
      %dma_wait3A_540 = tpu.memref_slice %arg3[%dma_wait3A_538, %dma_wait3A_539] : memref<100000x128xf32, #tpu.memory_space<hbm>> -> memref<100000x128xf32, #tpu.memory_space<hbm>>
      tpu.wait_indirect_dma semaphore(%arg18 : memref<!tpu.dma_semaphore, #tpu.memory_space<semaphore_mem>>) src(%dma_wait3A_540 : memref<100000x128xf32, #tpu.memory_space<hbm>>) dst(%dma_wait3A_534 : memref<112x128xf32, #tpu.memory_space<vmem>>)
      %mul3A_541 = arith.constant 32 : i32
      %mul3A_542 = arith.muli %mul3A_541, %add3A_528 : i32
      %add3A_543 = arith.addi %add3A, %mul3A_542 : i32
      %mul3A_544 = arith.constant 112 : i32
      %mul3A_545 = arith.muli %add3A_543, %mul3A_544 : i32
      %min3A_546 = arith.constant 49888 : i32
      %min3A_547 = arith.minsi %mul3A_545, %min3A_546 : i32
      %dma_start3A_548 = arith.constant 4 : i32
      %dma_start3A_549 = arith.constant 0 : i32
      %dma_start3A_550 = arith.constant 0 : i32
      %dma_start3A_551 = tpu.memref_slice %arg6[%dma_start3A_548, %dma_start3A_549, %dma_start3A_550] : memref<7x112x128xf32, #tpu.memory_space<vmem>> -> memref<1x112x128xf32, #tpu.memory_space<vmem>>
      %dma_start3A_552 = tpu.memref_squeeze %dma_start3A_551 : memref<1x112x128xf32, #tpu.memory_space<vmem>> -> memref<112x128xf32, #tpu.memory_space<vmem>>
      %dma_start3A_553 = arith.constant 0 : i32
      %dma_start3A_554 = tpu.memref_slice %arg4[%min3A_547, %dma_start3A_553] : memref<50000x128xf32, #tpu.memory_space<hbm>> -> memref<112x128xf32, #tpu.memory_space<hbm>>
      %dma_start3A_555 = arith.constant 0 : i32
      %dma_start3A_556 = tpu.memref_slice %arg4[%min3A_547, %dma_start3A_555] : memref<50000x128xf32, #tpu.memory_space<hbm>> -> memref<112x128xf32, #tpu.memory_space<hbm>>
      %dma_start3A_557 = arith.constant 0 : i32
      %dma_start3A_558 = arith.constant 0 : i32
      %dma_start3A_559 = tpu.memref_slice %arg6[%dma_start3A_548, %dma_start3A_557, %dma_start3A_558] : memref<7x112x128xf32, #tpu.memory_space<vmem>> -> memref<1x112x128xf32, #tpu.memory_space<vmem>>
      %dma_start3A_560 = tpu.memref_squeeze %dma_start3A_559 : memref<1x112x128xf32, #tpu.memory_space<vmem>> -> memref<112x128xf32, #tpu.memory_space<vmem>>
      tpu.enqueue_dma source(%dma_start3A_560 : memref<112x128xf32, #tpu.memory_space<vmem>>) target(%dma_start3A_556 : memref<112x128xf32, #tpu.memory_space<hbm>>) target_semaphore(%arg25 : memref<!tpu.dma_semaphore, #tpu.memory_space<semaphore_mem>>)
      %add3A_561 = arith.constant 5 : i32
      %add3A_562 = arith.addi %add3A_528, %add3A_561 : i32
      %lt3A_563 = arith.constant 14 : i32
      %lt3A_564 = arith.cmpi slt, %add3A_562, %lt3A_563 : i32
      %convert_element_type3A_565 = arith.extui %lt3A_564 : i1 to i32
      %cond3A_566 = arith.constant 0 : i32
      %cond3A_567 = arith.cmpi ne, %convert_element_type3A_565, %cond3A_566 : i32
      scf.if %cond3A_567 {
        %ge3A = arith.constant 2 : i32
        %ge3A_675 = arith.cmpi sge, %add3A_528, %ge3A : i32
        %convert_element_type3A_676 = arith.extui %ge3A_675 : i1 to i32
        %cond3A_677 = arith.constant 0 : i32
        %cond3A_678 = arith.cmpi ne, %convert_element_type3A_676, %cond3A_677 : i32
        scf.if %cond3A_678 {
          %dma_wait3A_702 = arith.constant 2 : i32
          %dma_wait3A_703 = arith.constant 0 : i32
          %dma_wait3A_704 = arith.constant 0 : i32
          %dma_wait3A_705 = tpu.memref_slice %arg6[%dma_wait3A_702, %dma_wait3A_703, %dma_wait3A_704] : memref<7x112x128xf32, #tpu.memory_space<vmem>> -> memref<1x112x128xf32, #tpu.memory_space<vmem>>
          %dma_wait3A_706 = tpu.memref_squeeze %dma_wait3A_705 : memref<1x112x128xf32, #tpu.memory_space<vmem>> -> memref<112x128xf32, #tpu.memory_space<vmem>>
          %dma_wait3A_707 = arith.constant 0 : i32
          %dma_wait3A_708 = arith.constant 0 : i32
          %dma_wait3A_709 = tpu.memref_slice %arg4[%dma_wait3A_707, %dma_wait3A_708] : memref<50000x128xf32, #tpu.memory_space<hbm>> -> memref<112x128xf32, #tpu.memory_space<hbm>>
          %dma_wait3A_710 = arith.constant 0 : i32
          %dma_wait3A_711 = arith.constant 0 : i32
          %dma_wait3A_712 = tpu.memref_slice %arg4[%dma_wait3A_710, %dma_wait3A_711] : memref<50000x128xf32, #tpu.memory_space<hbm>> -> memref<112x128xf32, #tpu.memory_space<hbm>>
          %dma_wait3A_713 = arith.constant 0 : i32
          %dma_wait3A_714 = arith.constant 0 : i32
          %dma_wait3A_715 = tpu.memref_slice %arg6[%dma_wait3A_702, %dma_wait3A_713, %dma_wait3A_714] : memref<7x112x128xf32, #tpu.memory_space<vmem>> -> memref<1x112x128xf32, #tpu.memory_space<vmem>>
          %dma_wait3A_716 = tpu.memref_squeeze %dma_wait3A_715 : memref<1x112x128xf32, #tpu.memory_space<vmem>> -> memref<112x128xf32, #tpu.memory_space<vmem>>
          tpu.wait_dma2 semaphore(%arg23 : memref<!tpu.dma_semaphore, #tpu.memory_space<semaphore_mem>>) src(%dma_wait3A_716 : memref<112x128xf32, #tpu.memory_space<vmem>>) dst(%dma_wait3A_712 : memref<112x128xf32, #tpu.memory_space<hbm>>)
        } else {
        }
        %dma_wait3A_679 = arith.constant 2 : i32
        %dma_wait3A_680 = arith.constant 0 : i32
        %dma_wait3A_681 = tpu.memref_slice %arg5[%dma_wait3A_679, %dma_wait3A_680] : memref<7x112xi32, #tpu.memory_space<vmem>> -> memref<1x112xi32, #tpu.memory_space<vmem>>
        %dma_wait3A_682 = tpu.memref_squeeze %dma_wait3A_681 : memref<1x112xi32, #tpu.memory_space<vmem>> -> memref<112xi32, #tpu.memory_space<vmem>>
        %dma_wait3A_683 = arith.constant 0 : i32
        %dma_wait3A_684 = tpu.memref_slice %arg2[%dma_wait3A_683] : memref<50000xi32, #tpu.memory_space<hbm>> -> memref<112xi32, #tpu.memory_space<hbm>>
        %dma_wait3A_685 = arith.constant 0 : i32
        %dma_wait3A_686 = tpu.memref_slice %arg5[%dma_wait3A_679, %dma_wait3A_685] : memref<7x112xi32, #tpu.memory_space<vmem>> -> memref<1x112xi32, #tpu.memory_space<vmem>>
        %dma_wait3A_687 = tpu.memref_squeeze %dma_wait3A_686 : memref<1x112xi32, #tpu.memory_space<vmem>> -> memref<112xi32, #tpu.memory_space<vmem>>
        %dma_wait3A_688 = arith.constant 0 : i32
        %dma_wait3A_689 = tpu.memref_slice %arg2[%dma_wait3A_688] : memref<50000xi32, #tpu.memory_space<hbm>> -> memref<112xi32, #tpu.memory_space<hbm>>
        tpu.wait_dma2 semaphore(%arg9 : memref<!tpu.dma_semaphore, #tpu.memory_space<semaphore_mem>>) src(%dma_wait3A_689 : memref<112xi32, #tpu.memory_space<hbm>>) dst(%dma_wait3A_687 : memref<112xi32, #tpu.memory_space<vmem>>)
        %dma_start3A_690 = arith.constant 2 : i32
        %dma_start3A_691 = arith.constant 2 : i32
        %dma_start3A_692 = arith.constant 0 : i32
        %dma_start3A_693 = arith.constant 0 : i32
        %dma_start3A_694 = tpu.memref_slice %arg6[%dma_start3A_691, %dma_start3A_692, %dma_start3A_693] : memref<7x112x128xf32, #tpu.memory_space<vmem>> -> memref<1x112x128xf32, #tpu.memory_space<vmem>>
        %dma_start3A_695 = tpu.memref_squeeze %dma_start3A_694 : memref<1x112x128xf32, #tpu.memory_space<vmem>> -> memref<112x128xf32, #tpu.memory_space<vmem>>
        %dma_start3A_696 = arith.constant 0 : i32
        %dma_start3A_697 = tpu.memref_slice %arg5[%dma_start3A_690, %dma_start3A_696] : memref<7x112xi32, #tpu.memory_space<vmem>> -> memref<1x112xi32, #tpu.memory_space<vmem>>
        %dma_start3A_698 = tpu.memref_squeeze %dma_start3A_697 : memref<1x112xi32, #tpu.memory_space<vmem>> -> memref<112xi32, #tpu.memory_space<vmem>>
        %dma_start3A_699 = arith.constant 0 : i32
        %dma_start3A_700 = arith.constant 0 : i32
        %dma_start3A_701 = tpu.memref_slice %arg3[%dma_start3A_699, %dma_start3A_700] : memref<100000x128xf32, #tpu.memory_space<hbm>> -> memref<100000x128xf32, #tpu.memory_space<hbm>>
        tpu.enqueue_indirect_dma source(%dma_start3A_701 : memref<100000x128xf32, #tpu.memory_space<hbm>>) target(%dma_start3A_695 : memref<112x128xf32, #tpu.memory_space<vmem>>) offsets(%dma_start3A_698 : memref<112xi32, #tpu.memory_space<vmem>>) semaphore(%arg16 : memref<!tpu.dma_semaphore, #tpu.memory_space<semaphore_mem>>)
      } else {
      }
      %add3A_568 = arith.constant 7 : i32
      %add3A_569 = arith.addi %add3A_528, %add3A_568 : i32
      %lt3A_570 = arith.constant 14 : i32
      %lt3A_571 = arith.cmpi slt, %add3A_569, %lt3A_570 : i32
      %convert_element_type3A_572 = arith.extui %lt3A_571 : i1 to i32
      %cond3A_573 = arith.constant 0 : i32
      %cond3A_574 = arith.cmpi ne, %convert_element_type3A_572, %cond3A_573 : i32
      scf.if %cond3A_574 {
        %add3A_675 = arith.constant 7 : i32
        %add3A_676 = arith.addi %add3A_528, %add3A_675 : i32
        %mul3A_677 = arith.constant 32 : i32
        %mul3A_678 = arith.muli %mul3A_677, %add3A_676 : i32
        %add3A_679 = arith.addi %add3A, %mul3A_678 : i32
        %mul3A_680 = arith.constant 112 : i32
        %mul3A_681 = arith.muli %add3A_679, %mul3A_680 : i32
        %min3A_682 = arith.constant 49888 : i32
        %min3A_683 = arith.minsi %mul3A_681, %min3A_682 : i32
        %dma_start3A_684 = arith.constant 4 : i32
        %dma_start3A_685 = arith.constant 0 : i32
        %dma_start3A_686 = tpu.memref_slice %arg5[%dma_start3A_684, %dma_start3A_685] : memref<7x112xi32, #tpu.memory_space<vmem>> -> memref<1x112xi32, #tpu.memory_space<vmem>>
        %dma_start3A_687 = tpu.memref_squeeze %dma_start3A_686 : memref<1x112xi32, #tpu.memory_space<vmem>> -> memref<112xi32, #tpu.memory_space<vmem>>
        %dma_start3A_688 = tpu.memref_slice %arg2[%min3A_683] : memref<50000xi32, #tpu.memory_space<hbm>> -> memref<112xi32, #tpu.memory_space<hbm>>
        %dma_start3A_689 = arith.constant 0 : i32
        %dma_start3A_690 = tpu.memref_slice %arg5[%dma_start3A_684, %dma_start3A_689] : memref<7x112xi32, #tpu.memory_space<vmem>> -> memref<1x112xi32, #tpu.memory_space<vmem>>
        %dma_start3A_691 = tpu.memref_squeeze %dma_start3A_690 : memref<1x112xi32, #tpu.memory_space<vmem>> -> memref<112xi32, #tpu.memory_space<vmem>>
        %dma_start3A_692 = tpu.memref_slice %arg2[%min3A_683] : memref<50000xi32, #tpu.memory_space<hbm>> -> memref<112xi32, #tpu.memory_space<hbm>>
        tpu.enqueue_dma source(%dma_start3A_692 : memref<112xi32, #tpu.memory_space<hbm>>) target(%dma_start3A_691 : memref<112xi32, #tpu.memory_space<vmem>>) target_semaphore(%arg11 : memref<!tpu.dma_semaphore, #tpu.memory_space<semaphore_mem>>)
      } else {
      }
      %mul3A_575 = arith.constant 7 : i32
      %mul3A_576 = arith.muli %mul3A_575, %scan3A_327 : i32
      %add3A_577 = arith.constant 5 : i32
      %add3A_578 = arith.addi %mul3A_576, %add3A_577 : i32
      %dma_wait3A_579 = arith.constant 5 : i32
      %dma_wait3A_580 = arith.constant 5 : i32
      %dma_wait3A_581 = arith.constant 0 : i32
      %dma_wait3A_582 = arith.constant 0 : i32
      %dma_wait3A_583 = tpu.memref_slice %arg6[%dma_wait3A_580, %dma_wait3A_581, %dma_wait3A_582] : memref<7x112x128xf32, #tpu.memory_space<vmem>> -> memref<1x112x128xf32, #tpu.memory_space<vmem>>
      %dma_wait3A_584 = tpu.memref_squeeze %dma_wait3A_583 : memref<1x112x128xf32, #tpu.memory_space<vmem>> -> memref<112x128xf32, #tpu.memory_space<vmem>>
      %dma_wait3A_585 = arith.constant 0 : i32
      %dma_wait3A_586 = tpu.memref_slice %arg5[%dma_wait3A_579, %dma_wait3A_585] : memref<7x112xi32, #tpu.memory_space<vmem>> -> memref<1x112xi32, #tpu.memory_space<vmem>>
      %dma_wait3A_587 = tpu.memref_squeeze %dma_wait3A_586 : memref<1x112xi32, #tpu.memory_space<vmem>> -> memref<112xi32, #tpu.memory_space<vmem>>
      %dma_wait3A_588 = arith.constant 0 : i32
      %dma_wait3A_589 = arith.constant 0 : i32
      %dma_wait3A_590 = tpu.memref_slice %arg3[%dma_wait3A_588, %dma_wait3A_589] : memref<100000x128xf32, #tpu.memory_space<hbm>> -> memref<100000x128xf32, #tpu.memory_space<hbm>>
      tpu.wait_indirect_dma semaphore(%arg19 : memref<!tpu.dma_semaphore, #tpu.memory_space<semaphore_mem>>) src(%dma_wait3A_590 : memref<100000x128xf32, #tpu.memory_space<hbm>>) dst(%dma_wait3A_584 : memref<112x128xf32, #tpu.memory_space<vmem>>)
      %mul3A_591 = arith.constant 32 : i32
      %mul3A_592 = arith.muli %mul3A_591, %add3A_578 : i32
      %add3A_593 = arith.addi %add3A, %mul3A_592 : i32
      %mul3A_594 = arith.constant 112 : i32
      %mul3A_595 = arith.muli %add3A_593, %mul3A_594 : i32
      %min3A_596 = arith.constant 49888 : i32
      %min3A_597 = arith.minsi %mul3A_595, %min3A_596 : i32
      %dma_start3A_598 = arith.constant 5 : i32
      %dma_start3A_599 = arith.constant 0 : i32
      %dma_start3A_600 = arith.constant 0 : i32
      %dma_start3A_601 = tpu.memref_slice %arg6[%dma_start3A_598, %dma_start3A_599, %dma_start3A_600] : memref<7x112x128xf32, #tpu.memory_space<vmem>> -> memref<1x112x128xf32, #tpu.memory_space<vmem>>
      %dma_start3A_602 = tpu.memref_squeeze %dma_start3A_601 : memref<1x112x128xf32, #tpu.memory_space<vmem>> -> memref<112x128xf32, #tpu.memory_space<vmem>>
      %dma_start3A_603 = arith.constant 0 : i32
      %dma_start3A_604 = tpu.memref_slice %arg4[%min3A_597, %dma_start3A_603] : memref<50000x128xf32, #tpu.memory_space<hbm>> -> memref<112x128xf32, #tpu.memory_space<hbm>>
      %dma_start3A_605 = arith.constant 0 : i32
      %dma_start3A_606 = tpu.memref_slice %arg4[%min3A_597, %dma_start3A_605] : memref<50000x128xf32, #tpu.memory_space<hbm>> -> memref<112x128xf32, #tpu.memory_space<hbm>>
      %dma_start3A_607 = arith.constant 0 : i32
      %dma_start3A_608 = arith.constant 0 : i32
      %dma_start3A_609 = tpu.memref_slice %arg6[%dma_start3A_598, %dma_start3A_607, %dma_start3A_608] : memref<7x112x128xf32, #tpu.memory_space<vmem>> -> memref<1x112x128xf32, #tpu.memory_space<vmem>>
      %dma_start3A_610 = tpu.memref_squeeze %dma_start3A_609 : memref<1x112x128xf32, #tpu.memory_space<vmem>> -> memref<112x128xf32, #tpu.memory_space<vmem>>
      tpu.enqueue_dma source(%dma_start3A_610 : memref<112x128xf32, #tpu.memory_space<vmem>>) target(%dma_start3A_606 : memref<112x128xf32, #tpu.memory_space<hbm>>) target_semaphore(%arg26 : memref<!tpu.dma_semaphore, #tpu.memory_space<semaphore_mem>>)
      %add3A_611 = arith.constant 5 : i32
      %add3A_612 = arith.addi %add3A_578, %add3A_611 : i32
      %lt3A_613 = arith.constant 14 : i32
      %lt3A_614 = arith.cmpi slt, %add3A_612, %lt3A_613 : i32
      %convert_element_type3A_615 = arith.extui %lt3A_614 : i1 to i32
      %cond3A_616 = arith.constant 0 : i32
      %cond3A_617 = arith.cmpi ne, %convert_element_type3A_615, %cond3A_616 : i32
      scf.if %cond3A_617 {
        %ge3A = arith.constant 2 : i32
        %ge3A_675 = arith.cmpi sge, %add3A_578, %ge3A : i32
        %convert_element_type3A_676 = arith.extui %ge3A_675 : i1 to i32
        %cond3A_677 = arith.constant 0 : i32
        %cond3A_678 = arith.cmpi ne, %convert_element_type3A_676, %cond3A_677 : i32
        scf.if %cond3A_678 {
          %dma_wait3A_702 = arith.constant 3 : i32
          %dma_wait3A_703 = arith.constant 0 : i32
          %dma_wait3A_704 = arith.constant 0 : i32
          %dma_wait3A_705 = tpu.memref_slice %arg6[%dma_wait3A_702, %dma_wait3A_703, %dma_wait3A_704] : memref<7x112x128xf32, #tpu.memory_space<vmem>> -> memref<1x112x128xf32, #tpu.memory_space<vmem>>
          %dma_wait3A_706 = tpu.memref_squeeze %dma_wait3A_705 : memref<1x112x128xf32, #tpu.memory_space<vmem>> -> memref<112x128xf32, #tpu.memory_space<vmem>>
          %dma_wait3A_707 = arith.constant 0 : i32
          %dma_wait3A_708 = arith.constant 0 : i32
          %dma_wait3A_709 = tpu.memref_slice %arg4[%dma_wait3A_707, %dma_wait3A_708] : memref<50000x128xf32, #tpu.memory_space<hbm>> -> memref<112x128xf32, #tpu.memory_space<hbm>>
          %dma_wait3A_710 = arith.constant 0 : i32
          %dma_wait3A_711 = arith.constant 0 : i32
          %dma_wait3A_712 = tpu.memref_slice %arg4[%dma_wait3A_710, %dma_wait3A_711] : memref<50000x128xf32, #tpu.memory_space<hbm>> -> memref<112x128xf32, #tpu.memory_space<hbm>>
          %dma_wait3A_713 = arith.constant 0 : i32
          %dma_wait3A_714 = arith.constant 0 : i32
          %dma_wait3A_715 = tpu.memref_slice %arg6[%dma_wait3A_702, %dma_wait3A_713, %dma_wait3A_714] : memref<7x112x128xf32, #tpu.memory_space<vmem>> -> memref<1x112x128xf32, #tpu.memory_space<vmem>>
          %dma_wait3A_716 = tpu.memref_squeeze %dma_wait3A_715 : memref<1x112x128xf32, #tpu.memory_space<vmem>> -> memref<112x128xf32, #tpu.memory_space<vmem>>
          tpu.wait_dma2 semaphore(%arg24 : memref<!tpu.dma_semaphore, #tpu.memory_space<semaphore_mem>>) src(%dma_wait3A_716 : memref<112x128xf32, #tpu.memory_space<vmem>>) dst(%dma_wait3A_712 : memref<112x128xf32, #tpu.memory_space<hbm>>)
        } else {
        }
        %dma_wait3A_679 = arith.constant 3 : i32
        %dma_wait3A_680 = arith.constant 0 : i32
        %dma_wait3A_681 = tpu.memref_slice %arg5[%dma_wait3A_679, %dma_wait3A_680] : memref<7x112xi32, #tpu.memory_space<vmem>> -> memref<1x112xi32, #tpu.memory_space<vmem>>
        %dma_wait3A_682 = tpu.memref_squeeze %dma_wait3A_681 : memref<1x112xi32, #tpu.memory_space<vmem>> -> memref<112xi32, #tpu.memory_space<vmem>>
        %dma_wait3A_683 = arith.constant 0 : i32
        %dma_wait3A_684 = tpu.memref_slice %arg2[%dma_wait3A_683] : memref<50000xi32, #tpu.memory_space<hbm>> -> memref<112xi32, #tpu.memory_space<hbm>>
        %dma_wait3A_685 = arith.constant 0 : i32
        %dma_wait3A_686 = tpu.memref_slice %arg5[%dma_wait3A_679, %dma_wait3A_685] : memref<7x112xi32, #tpu.memory_space<vmem>> -> memref<1x112xi32, #tpu.memory_space<vmem>>
        %dma_wait3A_687 = tpu.memref_squeeze %dma_wait3A_686 : memref<1x112xi32, #tpu.memory_space<vmem>> -> memref<112xi32, #tpu.memory_space<vmem>>
        %dma_wait3A_688 = arith.constant 0 : i32
        %dma_wait3A_689 = tpu.memref_slice %arg2[%dma_wait3A_688] : memref<50000xi32, #tpu.memory_space<hbm>> -> memref<112xi32, #tpu.memory_space<hbm>>
        tpu.wait_dma2 semaphore(%arg10 : memref<!tpu.dma_semaphore, #tpu.memory_space<semaphore_mem>>) src(%dma_wait3A_689 : memref<112xi32, #tpu.memory_space<hbm>>) dst(%dma_wait3A_687 : memref<112xi32, #tpu.memory_space<vmem>>)
        %dma_start3A_690 = arith.constant 3 : i32
        %dma_start3A_691 = arith.constant 3 : i32
        %dma_start3A_692 = arith.constant 0 : i32
        %dma_start3A_693 = arith.constant 0 : i32
        %dma_start3A_694 = tpu.memref_slice %arg6[%dma_start3A_691, %dma_start3A_692, %dma_start3A_693] : memref<7x112x128xf32, #tpu.memory_space<vmem>> -> memref<1x112x128xf32, #tpu.memory_space<vmem>>
        %dma_start3A_695 = tpu.memref_squeeze %dma_start3A_694 : memref<1x112x128xf32, #tpu.memory_space<vmem>> -> memref<112x128xf32, #tpu.memory_space<vmem>>
        %dma_start3A_696 = arith.constant 0 : i32
        %dma_start3A_697 = tpu.memref_slice %arg5[%dma_start3A_690, %dma_start3A_696] : memref<7x112xi32, #tpu.memory_space<vmem>> -> memref<1x112xi32, #tpu.memory_space<vmem>>
        %dma_start3A_698 = tpu.memref_squeeze %dma_start3A_697 : memref<1x112xi32, #tpu.memory_space<vmem>> -> memref<112xi32, #tpu.memory_space<vmem>>
        %dma_start3A_699 = arith.constant 0 : i32
        %dma_start3A_700 = arith.constant 0 : i32
        %dma_start3A_701 = tpu.memref_slice %arg3[%dma_start3A_699, %dma_start3A_700] : memref<100000x128xf32, #tpu.memory_space<hbm>> -> memref<100000x128xf32, #tpu.memory_space<hbm>>
        tpu.enqueue_indirect_dma source(%dma_start3A_701 : memref<100000x128xf32, #tpu.memory_space<hbm>>) target(%dma_start3A_695 : memref<112x128xf32, #tpu.memory_space<vmem>>) offsets(%dma_start3A_698 : memref<112xi32, #tpu.memory_space<vmem>>) semaphore(%arg17 : memref<!tpu.dma_semaphore, #tpu.memory_space<semaphore_mem>>)
      } else {
      }
      %add3A_618 = arith.constant 7 : i32
      %add3A_619 = arith.addi %add3A_578, %add3A_618 : i32
      %lt3A_620 = arith.constant 14 : i32
      %lt3A_621 = arith.cmpi slt, %add3A_619, %lt3A_620 : i32
      %convert_element_type3A_622 = arith.extui %lt3A_621 : i1 to i32
      %cond3A_623 = arith.constant 0 : i32
      %cond3A_624 = arith.cmpi ne, %convert_element_type3A_622, %cond3A_623 : i32
      scf.if %cond3A_624 {
        %add3A_675 = arith.constant 7 : i32
        %add3A_676 = arith.addi %add3A_578, %add3A_675 : i32
        %mul3A_677 = arith.constant 32 : i32
        %mul3A_678 = arith.muli %mul3A_677, %add3A_676 : i32
        %add3A_679 = arith.addi %add3A, %mul3A_678 : i32
        %mul3A_680 = arith.constant 112 : i32
        %mul3A_681 = arith.muli %add3A_679, %mul3A_680 : i32
        %min3A_682 = arith.constant 49888 : i32
        %min3A_683 = arith.minsi %mul3A_681, %min3A_682 : i32
        %dma_start3A_684 = arith.constant 5 : i32
        %dma_start3A_685 = arith.constant 0 : i32
        %dma_start3A_686 = tpu.memref_slice %arg5[%dma_start3A_684, %dma_start3A_685] : memref<7x112xi32, #tpu.memory_space<vmem>> -> memref<1x112xi32, #tpu.memory_space<vmem>>
        %dma_start3A_687 = tpu.memref_squeeze %dma_start3A_686 : memref<1x112xi32, #tpu.memory_space<vmem>> -> memref<112xi32, #tpu.memory_space<vmem>>
        %dma_start3A_688 = tpu.memref_slice %arg2[%min3A_683] : memref<50000xi32, #tpu.memory_space<hbm>> -> memref<112xi32, #tpu.memory_space<hbm>>
        %dma_start3A_689 = arith.constant 0 : i32
        %dma_start3A_690 = tpu.memref_slice %arg5[%dma_start3A_684, %dma_start3A_689] : memref<7x112xi32, #tpu.memory_space<vmem>> -> memref<1x112xi32, #tpu.memory_space<vmem>>
        %dma_start3A_691 = tpu.memref_squeeze %dma_start3A_690 : memref<1x112xi32, #tpu.memory_space<vmem>> -> memref<112xi32, #tpu.memory_space<vmem>>
        %dma_start3A_692 = tpu.memref_slice %arg2[%min3A_683] : memref<50000xi32, #tpu.memory_space<hbm>> -> memref<112xi32, #tpu.memory_space<hbm>>
        tpu.enqueue_dma source(%dma_start3A_692 : memref<112xi32, #tpu.memory_space<hbm>>) target(%dma_start3A_691 : memref<112xi32, #tpu.memory_space<vmem>>) target_semaphore(%arg12 : memref<!tpu.dma_semaphore, #tpu.memory_space<semaphore_mem>>)
      } else {
      }
      %mul3A_625 = arith.constant 7 : i32
      %mul3A_626 = arith.muli %mul3A_625, %scan3A_327 : i32
      %add3A_627 = arith.constant 6 : i32
      %add3A_628 = arith.addi %mul3A_626, %add3A_627 : i32
      %dma_wait3A_629 = arith.constant 6 : i32
      %dma_wait3A_630 = arith.constant 6 : i32
      %dma_wait3A_631 = arith.constant 0 : i32
      %dma_wait3A_632 = arith.constant 0 : i32
      %dma_wait3A_633 = tpu.memref_slice %arg6[%dma_wait3A_630, %dma_wait3A_631, %dma_wait3A_632] : memref<7x112x128xf32, #tpu.memory_space<vmem>> -> memref<1x112x128xf32, #tpu.memory_space<vmem>>
      %dma_wait3A_634 = tpu.memref_squeeze %dma_wait3A_633 : memref<1x112x128xf32, #tpu.memory_space<vmem>> -> memref<112x128xf32, #tpu.memory_space<vmem>>
      %dma_wait3A_635 = arith.constant 0 : i32
      %dma_wait3A_636 = tpu.memref_slice %arg5[%dma_wait3A_629, %dma_wait3A_635] : memref<7x112xi32, #tpu.memory_space<vmem>> -> memref<1x112xi32, #tpu.memory_space<vmem>>
      %dma_wait3A_637 = tpu.memref_squeeze %dma_wait3A_636 : memref<1x112xi32, #tpu.memory_space<vmem>> -> memref<112xi32, #tpu.memory_space<vmem>>
      %dma_wait3A_638 = arith.constant 0 : i32
      %dma_wait3A_639 = arith.constant 0 : i32
      %dma_wait3A_640 = tpu.memref_slice %arg3[%dma_wait3A_638, %dma_wait3A_639] : memref<100000x128xf32, #tpu.memory_space<hbm>> -> memref<100000x128xf32, #tpu.memory_space<hbm>>
      tpu.wait_indirect_dma semaphore(%arg20 : memref<!tpu.dma_semaphore, #tpu.memory_space<semaphore_mem>>) src(%dma_wait3A_640 : memref<100000x128xf32, #tpu.memory_space<hbm>>) dst(%dma_wait3A_634 : memref<112x128xf32, #tpu.memory_space<vmem>>)
      %mul3A_641 = arith.constant 32 : i32
      %mul3A_642 = arith.muli %mul3A_641, %add3A_628 : i32
      %add3A_643 = arith.addi %add3A, %mul3A_642 : i32
      %mul3A_644 = arith.constant 112 : i32
      %mul3A_645 = arith.muli %add3A_643, %mul3A_644 : i32
      %min3A_646 = arith.constant 49888 : i32
      %min3A_647 = arith.minsi %mul3A_645, %min3A_646 : i32
      %dma_start3A_648 = arith.constant 6 : i32
      %dma_start3A_649 = arith.constant 0 : i32
      %dma_start3A_650 = arith.constant 0 : i32
      %dma_start3A_651 = tpu.memref_slice %arg6[%dma_start3A_648, %dma_start3A_649, %dma_start3A_650] : memref<7x112x128xf32, #tpu.memory_space<vmem>> -> memref<1x112x128xf32, #tpu.memory_space<vmem>>
      %dma_start3A_652 = tpu.memref_squeeze %dma_start3A_651 : memref<1x112x128xf32, #tpu.memory_space<vmem>> -> memref<112x128xf32, #tpu.memory_space<vmem>>
      %dma_start3A_653 = arith.constant 0 : i32
      %dma_start3A_654 = tpu.memref_slice %arg4[%min3A_647, %dma_start3A_653] : memref<50000x128xf32, #tpu.memory_space<hbm>> -> memref<112x128xf32, #tpu.memory_space<hbm>>
      %dma_start3A_655 = arith.constant 0 : i32
      %dma_start3A_656 = tpu.memref_slice %arg4[%min3A_647, %dma_start3A_655] : memref<50000x128xf32, #tpu.memory_space<hbm>> -> memref<112x128xf32, #tpu.memory_space<hbm>>
      %dma_start3A_657 = arith.constant 0 : i32
      %dma_start3A_658 = arith.constant 0 : i32
      %dma_start3A_659 = tpu.memref_slice %arg6[%dma_start3A_648, %dma_start3A_657, %dma_start3A_658] : memref<7x112x128xf32, #tpu.memory_space<vmem>> -> memref<1x112x128xf32, #tpu.memory_space<vmem>>
      %dma_start3A_660 = tpu.memref_squeeze %dma_start3A_659 : memref<1x112x128xf32, #tpu.memory_space<vmem>> -> memref<112x128xf32, #tpu.memory_space<vmem>>
      tpu.enqueue_dma source(%dma_start3A_660 : memref<112x128xf32, #tpu.memory_space<vmem>>) target(%dma_start3A_656 : memref<112x128xf32, #tpu.memory_space<hbm>>) target_semaphore(%arg27 : memref<!tpu.dma_semaphore, #tpu.memory_space<semaphore_mem>>)
      %add3A_661 = arith.constant 5 : i32
      %add3A_662 = arith.addi %add3A_628, %add3A_661 : i32
      %lt3A_663 = arith.constant 14 : i32
      %lt3A_664 = arith.cmpi slt, %add3A_662, %lt3A_663 : i32
      %convert_element_type3A_665 = arith.extui %lt3A_664 : i1 to i32
      %cond3A_666 = arith.constant 0 : i32
      %cond3A_667 = arith.cmpi ne, %convert_element_type3A_665, %cond3A_666 : i32
      scf.if %cond3A_667 {
        %ge3A = arith.constant 2 : i32
        %ge3A_675 = arith.cmpi sge, %add3A_628, %ge3A : i32
        %convert_element_type3A_676 = arith.extui %ge3A_675 : i1 to i32
        %cond3A_677 = arith.constant 0 : i32
        %cond3A_678 = arith.cmpi ne, %convert_element_type3A_676, %cond3A_677 : i32
        scf.if %cond3A_678 {
          %dma_wait3A_702 = arith.constant 4 : i32
          %dma_wait3A_703 = arith.constant 0 : i32
          %dma_wait3A_704 = arith.constant 0 : i32
          %dma_wait3A_705 = tpu.memref_slice %arg6[%dma_wait3A_702, %dma_wait3A_703, %dma_wait3A_704] : memref<7x112x128xf32, #tpu.memory_space<vmem>> -> memref<1x112x128xf32, #tpu.memory_space<vmem>>
          %dma_wait3A_706 = tpu.memref_squeeze %dma_wait3A_705 : memref<1x112x128xf32, #tpu.memory_space<vmem>> -> memref<112x128xf32, #tpu.memory_space<vmem>>
          %dma_wait3A_707 = arith.constant 0 : i32
          %dma_wait3A_708 = arith.constant 0 : i32
          %dma_wait3A_709 = tpu.memref_slice %arg4[%dma_wait3A_707, %dma_wait3A_708] : memref<50000x128xf32, #tpu.memory_space<hbm>> -> memref<112x128xf32, #tpu.memory_space<hbm>>
          %dma_wait3A_710 = arith.constant 0 : i32
          %dma_wait3A_711 = arith.constant 0 : i32
          %dma_wait3A_712 = tpu.memref_slice %arg4[%dma_wait3A_710, %dma_wait3A_711] : memref<50000x128xf32, #tpu.memory_space<hbm>> -> memref<112x128xf32, #tpu.memory_space<hbm>>
          %dma_wait3A_713 = arith.constant 0 : i32
          %dma_wait3A_714 = arith.constant 0 : i32
          %dma_wait3A_715 = tpu.memref_slice %arg6[%dma_wait3A_702, %dma_wait3A_713, %dma_wait3A_714] : memref<7x112x128xf32, #tpu.memory_space<vmem>> -> memref<1x112x128xf32, #tpu.memory_space<vmem>>
          %dma_wait3A_716 = tpu.memref_squeeze %dma_wait3A_715 : memref<1x112x128xf32, #tpu.memory_space<vmem>> -> memref<112x128xf32, #tpu.memory_space<vmem>>
          tpu.wait_dma2 semaphore(%arg25 : memref<!tpu.dma_semaphore, #tpu.memory_space<semaphore_mem>>) src(%dma_wait3A_716 : memref<112x128xf32, #tpu.memory_space<vmem>>) dst(%dma_wait3A_712 : memref<112x128xf32, #tpu.memory_space<hbm>>)
        } else {
        }
        %dma_wait3A_679 = arith.constant 4 : i32
        %dma_wait3A_680 = arith.constant 0 : i32
        %dma_wait3A_681 = tpu.memref_slice %arg5[%dma_wait3A_679, %dma_wait3A_680] : memref<7x112xi32, #tpu.memory_space<vmem>> -> memref<1x112xi32, #tpu.memory_space<vmem>>
        %dma_wait3A_682 = tpu.memref_squeeze %dma_wait3A_681 : memref<1x112xi32, #tpu.memory_space<vmem>> -> memref<112xi32, #tpu.memory_space<vmem>>
        %dma_wait3A_683 = arith.constant 0 : i32
        %dma_wait3A_684 = tpu.memref_slice %arg2[%dma_wait3A_683] : memref<50000xi32, #tpu.memory_space<hbm>> -> memref<112xi32, #tpu.memory_space<hbm>>
        %dma_wait3A_685 = arith.constant 0 : i32
        %dma_wait3A_686 = tpu.memref_slice %arg5[%dma_wait3A_679, %dma_wait3A_685] : memref<7x112xi32, #tpu.memory_space<vmem>> -> memref<1x112xi32, #tpu.memory_space<vmem>>
        %dma_wait3A_687 = tpu.memref_squeeze %dma_wait3A_686 : memref<1x112xi32, #tpu.memory_space<vmem>> -> memref<112xi32, #tpu.memory_space<vmem>>
        %dma_wait3A_688 = arith.constant 0 : i32
        %dma_wait3A_689 = tpu.memref_slice %arg2[%dma_wait3A_688] : memref<50000xi32, #tpu.memory_space<hbm>> -> memref<112xi32, #tpu.memory_space<hbm>>
        tpu.wait_dma2 semaphore(%arg11 : memref<!tpu.dma_semaphore, #tpu.memory_space<semaphore_mem>>) src(%dma_wait3A_689 : memref<112xi32, #tpu.memory_space<hbm>>) dst(%dma_wait3A_687 : memref<112xi32, #tpu.memory_space<vmem>>)
        %dma_start3A_690 = arith.constant 4 : i32
        %dma_start3A_691 = arith.constant 4 : i32
        %dma_start3A_692 = arith.constant 0 : i32
        %dma_start3A_693 = arith.constant 0 : i32
        %dma_start3A_694 = tpu.memref_slice %arg6[%dma_start3A_691, %dma_start3A_692, %dma_start3A_693] : memref<7x112x128xf32, #tpu.memory_space<vmem>> -> memref<1x112x128xf32, #tpu.memory_space<vmem>>
        %dma_start3A_695 = tpu.memref_squeeze %dma_start3A_694 : memref<1x112x128xf32, #tpu.memory_space<vmem>> -> memref<112x128xf32, #tpu.memory_space<vmem>>
        %dma_start3A_696 = arith.constant 0 : i32
        %dma_start3A_697 = tpu.memref_slice %arg5[%dma_start3A_690, %dma_start3A_696] : memref<7x112xi32, #tpu.memory_space<vmem>> -> memref<1x112xi32, #tpu.memory_space<vmem>>
        %dma_start3A_698 = tpu.memref_squeeze %dma_start3A_697 : memref<1x112xi32, #tpu.memory_space<vmem>> -> memref<112xi32, #tpu.memory_space<vmem>>
        %dma_start3A_699 = arith.constant 0 : i32
        %dma_start3A_700 = arith.constant 0 : i32
        %dma_start3A_701 = tpu.memref_slice %arg3[%dma_start3A_699, %dma_start3A_700] : memref<100000x128xf32, #tpu.memory_space<hbm>> -> memref<100000x128xf32, #tpu.memory_space<hbm>>
        tpu.enqueue_indirect_dma source(%dma_start3A_701 : memref<100000x128xf32, #tpu.memory_space<hbm>>) target(%dma_start3A_695 : memref<112x128xf32, #tpu.memory_space<vmem>>) offsets(%dma_start3A_698 : memref<112xi32, #tpu.memory_space<vmem>>) semaphore(%arg18 : memref<!tpu.dma_semaphore, #tpu.memory_space<semaphore_mem>>)
      } else {
      }
      %add3A_668 = arith.constant 7 : i32
      %add3A_669 = arith.addi %add3A_628, %add3A_668 : i32
      %lt3A_670 = arith.constant 14 : i32
      %lt3A_671 = arith.cmpi slt, %add3A_669, %lt3A_670 : i32
      %convert_element_type3A_672 = arith.extui %lt3A_671 : i1 to i32
      %cond3A_673 = arith.constant 0 : i32
      %cond3A_674 = arith.cmpi ne, %convert_element_type3A_672, %cond3A_673 : i32
      scf.if %cond3A_674 {
        %add3A_675 = arith.constant 7 : i32
        %add3A_676 = arith.addi %add3A_628, %add3A_675 : i32
        %mul3A_677 = arith.constant 32 : i32
        %mul3A_678 = arith.muli %mul3A_677, %add3A_676 : i32
        %add3A_679 = arith.addi %add3A, %mul3A_678 : i32
        %mul3A_680 = arith.constant 112 : i32
        %mul3A_681 = arith.muli %add3A_679, %mul3A_680 : i32
        %min3A_682 = arith.constant 49888 : i32
        %min3A_683 = arith.minsi %mul3A_681, %min3A_682 : i32
        %dma_start3A_684 = arith.constant 6 : i32
        %dma_start3A_685 = arith.constant 0 : i32
        %dma_start3A_686 = tpu.memref_slice %arg5[%dma_start3A_684, %dma_start3A_685] : memref<7x112xi32, #tpu.memory_space<vmem>> -> memref<1x112xi32, #tpu.memory_space<vmem>>
        %dma_start3A_687 = tpu.memref_squeeze %dma_start3A_686 : memref<1x112xi32, #tpu.memory_space<vmem>> -> memref<112xi32, #tpu.memory_space<vmem>>
        %dma_start3A_688 = tpu.memref_slice %arg2[%min3A_683] : memref<50000xi32, #tpu.memory_space<hbm>> -> memref<112xi32, #tpu.memory_space<hbm>>
        %dma_start3A_689 = arith.constant 0 : i32
        %dma_start3A_690 = tpu.memref_slice %arg5[%dma_start3A_684, %dma_start3A_689] : memref<7x112xi32, #tpu.memory_space<vmem>> -> memref<1x112xi32, #tpu.memory_space<vmem>>
        %dma_start3A_691 = tpu.memref_squeeze %dma_start3A_690 : memref<1x112xi32, #tpu.memory_space<vmem>> -> memref<112xi32, #tpu.memory_space<vmem>>
        %dma_start3A_692 = tpu.memref_slice %arg2[%min3A_683] : memref<50000xi32, #tpu.memory_space<hbm>> -> memref<112xi32, #tpu.memory_space<hbm>>
        tpu.enqueue_dma source(%dma_start3A_692 : memref<112xi32, #tpu.memory_space<hbm>>) target(%dma_start3A_691 : memref<112xi32, #tpu.memory_space<vmem>>) target_semaphore(%arg13 : memref<!tpu.dma_semaphore, #tpu.memory_space<semaphore_mem>>)
      } else {
      }
    }
    %scan3A_221 = arith.constant 2 : i32
    %dma_wait3A_222 = arith.constant 0 : i32
    %dma_wait3A_223 = arith.constant 0 : i32
    %dma_wait3A_224 = arith.constant 0 : i32
    %dma_wait3A_225 = tpu.memref_slice %arg6[%dma_wait3A_222, %dma_wait3A_223, %dma_wait3A_224] : memref<7x112x128xf32, #tpu.memory_space<vmem>> -> memref<1x112x128xf32, #tpu.memory_space<vmem>>
    %dma_wait3A_226 = tpu.memref_squeeze %dma_wait3A_225 : memref<1x112x128xf32, #tpu.memory_space<vmem>> -> memref<112x128xf32, #tpu.memory_space<vmem>>
    %dma_wait3A_227 = arith.constant 0 : i32
    %dma_wait3A_228 = arith.constant 0 : i32
    %dma_wait3A_229 = tpu.memref_slice %arg4[%dma_wait3A_227, %dma_wait3A_228] : memref<50000x128xf32, #tpu.memory_space<hbm>> -> memref<112x128xf32, #tpu.memory_space<hbm>>
    %dma_wait3A_230 = arith.constant 0 : i32
    %dma_wait3A_231 = arith.constant 0 : i32
    %dma_wait3A_232 = tpu.memref_slice %arg4[%dma_wait3A_230, %dma_wait3A_231] : memref<50000x128xf32, #tpu.memory_space<hbm>> -> memref<112x128xf32, #tpu.memory_space<hbm>>
    %dma_wait3A_233 = arith.constant 0 : i32
    %dma_wait3A_234 = arith.constant 0 : i32
    %dma_wait3A_235 = tpu.memref_slice %arg6[%dma_wait3A_222, %dma_wait3A_233, %dma_wait3A_234] : memref<7x112x128xf32, #tpu.memory_space<vmem>> -> memref<1x112x128xf32, #tpu.memory_space<vmem>>
    %dma_wait3A_236 = tpu.memref_squeeze %dma_wait3A_235 : memref<1x112x128xf32, #tpu.memory_space<vmem>> -> memref<112x128xf32, #tpu.memory_space<vmem>>
    tpu.wait_dma2 semaphore(%arg21 : memref<!tpu.dma_semaphore, #tpu.memory_space<semaphore_mem>>) src(%dma_wait3A_236 : memref<112x128xf32, #tpu.memory_space<vmem>>) dst(%dma_wait3A_232 : memref<112x128xf32, #tpu.memory_space<hbm>>)
    %dma_wait3A_237 = arith.constant 1 : i32
    %dma_wait3A_238 = arith.constant 0 : i32
    %dma_wait3A_239 = arith.constant 0 : i32
    %dma_wait3A_240 = tpu.memref_slice %arg6[%dma_wait3A_237, %dma_wait3A_238, %dma_wait3A_239] : memref<7x112x128xf32, #tpu.memory_space<vmem>> -> memref<1x112x128xf32, #tpu.memory_space<vmem>>
    %dma_wait3A_241 = tpu.memref_squeeze %dma_wait3A_240 : memref<1x112x128xf32, #tpu.memory_space<vmem>> -> memref<112x128xf32, #tpu.memory_space<vmem>>
    %dma_wait3A_242 = arith.constant 0 : i32
    %dma_wait3A_243 = arith.constant 0 : i32
    %dma_wait3A_244 = tpu.memref_slice %arg4[%dma_wait3A_242, %dma_wait3A_243] : memref<50000x128xf32, #tpu.memory_space<hbm>> -> memref<112x128xf32, #tpu.memory_space<hbm>>
    %dma_wait3A_245 = arith.constant 0 : i32
    %dma_wait3A_246 = arith.constant 0 : i32
    %dma_wait3A_247 = tpu.memref_slice %arg4[%dma_wait3A_245, %dma_wait3A_246] : memref<50000x128xf32, #tpu.memory_space<hbm>> -> memref<112x128xf32, #tpu.memory_space<hbm>>
    %dma_wait3A_248 = arith.constant 0 : i32
    %dma_wait3A_249 = arith.constant 0 : i32
    %dma_wait3A_250 = tpu.memref_slice %arg6[%dma_wait3A_237, %dma_wait3A_248, %dma_wait3A_249] : memref<7x112x128xf32, #tpu.memory_space<vmem>> -> memref<1x112x128xf32, #tpu.memory_space<vmem>>
    %dma_wait3A_251 = tpu.memref_squeeze %dma_wait3A_250 : memref<1x112x128xf32, #tpu.memory_space<vmem>> -> memref<112x128xf32, #tpu.memory_space<vmem>>
    tpu.wait_dma2 semaphore(%arg22 : memref<!tpu.dma_semaphore, #tpu.memory_space<semaphore_mem>>) src(%dma_wait3A_251 : memref<112x128xf32, #tpu.memory_space<vmem>>) dst(%dma_wait3A_247 : memref<112x128xf32, #tpu.memory_space<hbm>>)
    %dma_wait3A_252 = arith.constant 2 : i32
    %dma_wait3A_253 = arith.constant 0 : i32
    %dma_wait3A_254 = arith.constant 0 : i32
    %dma_wait3A_255 = tpu.memref_slice %arg6[%dma_wait3A_252, %dma_wait3A_253, %dma_wait3A_254] : memref<7x112x128xf32, #tpu.memory_space<vmem>> -> memref<1x112x128xf32, #tpu.memory_space<vmem>>
    %dma_wait3A_256 = tpu.memref_squeeze %dma_wait3A_255 : memref<1x112x128xf32, #tpu.memory_space<vmem>> -> memref<112x128xf32, #tpu.memory_space<vmem>>
    %dma_wait3A_257 = arith.constant 0 : i32
    %dma_wait3A_258 = arith.constant 0 : i32
    %dma_wait3A_259 = tpu.memref_slice %arg4[%dma_wait3A_257, %dma_wait3A_258] : memref<50000x128xf32, #tpu.memory_space<hbm>> -> memref<112x128xf32, #tpu.memory_space<hbm>>
    %dma_wait3A_260 = arith.constant 0 : i32
    %dma_wait3A_261 = arith.constant 0 : i32
    %dma_wait3A_262 = tpu.memref_slice %arg4[%dma_wait3A_260, %dma_wait3A_261] : memref<50000x128xf32, #tpu.memory_space<hbm>> -> memref<112x128xf32, #tpu.memory_space<hbm>>
    %dma_wait3A_263 = arith.constant 0 : i32
    %dma_wait3A_264 = arith.constant 0 : i32
    %dma_wait3A_265 = tpu.memref_slice %arg6[%dma_wait3A_252, %dma_wait3A_263, %dma_wait3A_264] : memref<7x112x128xf32, #tpu.memory_space<vmem>> -> memref<1x112x128xf32, #tpu.memory_space<vmem>>
    %dma_wait3A_266 = tpu.memref_squeeze %dma_wait3A_265 : memref<1x112x128xf32, #tpu.memory_space<vmem>> -> memref<112x128xf32, #tpu.memory_space<vmem>>
    tpu.wait_dma2 semaphore(%arg23 : memref<!tpu.dma_semaphore, #tpu.memory_space<semaphore_mem>>) src(%dma_wait3A_266 : memref<112x128xf32, #tpu.memory_space<vmem>>) dst(%dma_wait3A_262 : memref<112x128xf32, #tpu.memory_space<hbm>>)
    %dma_wait3A_267 = arith.constant 3 : i32
    %dma_wait3A_268 = arith.constant 0 : i32
    %dma_wait3A_269 = arith.constant 0 : i32
    %dma_wait3A_270 = tpu.memref_slice %arg6[%dma_wait3A_267, %dma_wait3A_268, %dma_wait3A_269] : memref<7x112x128xf32, #tpu.memory_space<vmem>> -> memref<1x112x128xf32, #tpu.memory_space<vmem>>
    %dma_wait3A_271 = tpu.memref_squeeze %dma_wait3A_270 : memref<1x112x128xf32, #tpu.memory_space<vmem>> -> memref<112x128xf32, #tpu.memory_space<vmem>>
    %dma_wait3A_272 = arith.constant 0 : i32
    %dma_wait3A_273 = arith.constant 0 : i32
    %dma_wait3A_274 = tpu.memref_slice %arg4[%dma_wait3A_272, %dma_wait3A_273] : memref<50000x128xf32, #tpu.memory_space<hbm>> -> memref<112x128xf32, #tpu.memory_space<hbm>>
    %dma_wait3A_275 = arith.constant 0 : i32
    %dma_wait3A_276 = arith.constant 0 : i32
    %dma_wait3A_277 = tpu.memref_slice %arg4[%dma_wait3A_275, %dma_wait3A_276] : memref<50000x128xf32, #tpu.memory_space<hbm>> -> memref<112x128xf32, #tpu.memory_space<hbm>>
    %dma_wait3A_278 = arith.constant 0 : i32
    %dma_wait3A_279 = arith.constant 0 : i32
    %dma_wait3A_280 = tpu.memref_slice %arg6[%dma_wait3A_267, %dma_wait3A_278, %dma_wait3A_279] : memref<7x112x128xf32, #tpu.memory_space<vmem>> -> memref<1x112x128xf32, #tpu.memory_space<vmem>>
    %dma_wait3A_281 = tpu.memref_squeeze %dma_wait3A_280 : memref<1x112x128xf32, #tpu.memory_space<vmem>> -> memref<112x128xf32, #tpu.memory_space<vmem>>
    tpu.wait_dma2 semaphore(%arg24 : memref<!tpu.dma_semaphore, #tpu.memory_space<semaphore_mem>>) src(%dma_wait3A_281 : memref<112x128xf32, #tpu.memory_space<vmem>>) dst(%dma_wait3A_277 : memref<112x128xf32, #tpu.memory_space<hbm>>)
    %dma_wait3A_282 = arith.constant 4 : i32
    %dma_wait3A_283 = arith.constant 0 : i32
    %dma_wait3A_284 = arith.constant 0 : i32
    %dma_wait3A_285 = tpu.memref_slice %arg6[%dma_wait3A_282, %dma_wait3A_283, %dma_wait3A_284] : memref<7x112x128xf32, #tpu.memory_space<vmem>> -> memref<1x112x128xf32, #tpu.memory_space<vmem>>
    %dma_wait3A_286 = tpu.memref_squeeze %dma_wait3A_285 : memref<1x112x128xf32, #tpu.memory_space<vmem>> -> memref<112x128xf32, #tpu.memory_space<vmem>>
    %dma_wait3A_287 = arith.constant 0 : i32
    %dma_wait3A_288 = arith.constant 0 : i32
    %dma_wait3A_289 = tpu.memref_slice %arg4[%dma_wait3A_287, %dma_wait3A_288] : memref<50000x128xf32, #tpu.memory_space<hbm>> -> memref<112x128xf32, #tpu.memory_space<hbm>>
    %dma_wait3A_290 = arith.constant 0 : i32
    %dma_wait3A_291 = arith.constant 0 : i32
    %dma_wait3A_292 = tpu.memref_slice %arg4[%dma_wait3A_290, %dma_wait3A_291] : memref<50000x128xf32, #tpu.memory_space<hbm>> -> memref<112x128xf32, #tpu.memory_space<hbm>>
    %dma_wait3A_293 = arith.constant 0 : i32
    %dma_wait3A_294 = arith.constant 0 : i32
    %dma_wait3A_295 = tpu.memref_slice %arg6[%dma_wait3A_282, %dma_wait3A_293, %dma_wait3A_294] : memref<7x112x128xf32, #tpu.memory_space<vmem>> -> memref<1x112x128xf32, #tpu.memory_space<vmem>>
    %dma_wait3A_296 = tpu.memref_squeeze %dma_wait3A_295 : memref<1x112x128xf32, #tpu.memory_space<vmem>> -> memref<112x128xf32, #tpu.memory_space<vmem>>
    tpu.wait_dma2 semaphore(%arg25 : memref<!tpu.dma_semaphore, #tpu.memory_space<semaphore_mem>>) src(%dma_wait3A_296 : memref<112x128xf32, #tpu.memory_space<vmem>>) dst(%dma_wait3A_292 : memref<112x128xf32, #tpu.memory_space<hbm>>)
    %dma_wait3A_297 = arith.constant 5 : i32
    %dma_wait3A_298 = arith.constant 0 : i32
    %dma_wait3A_299 = arith.constant 0 : i32
    %dma_wait3A_300 = tpu.memref_slice %arg6[%dma_wait3A_297, %dma_wait3A_298, %dma_wait3A_299] : memref<7x112x128xf32, #tpu.memory_space<vmem>> -> memref<1x112x128xf32, #tpu.memory_space<vmem>>
    %dma_wait3A_301 = tpu.memref_squeeze %dma_wait3A_300 : memref<1x112x128xf32, #tpu.memory_space<vmem>> -> memref<112x128xf32, #tpu.memory_space<vmem>>
    %dma_wait3A_302 = arith.constant 0 : i32
    %dma_wait3A_303 = arith.constant 0 : i32
    %dma_wait3A_304 = tpu.memref_slice %arg4[%dma_wait3A_302, %dma_wait3A_303] : memref<50000x128xf32, #tpu.memory_space<hbm>> -> memref<112x128xf32, #tpu.memory_space<hbm>>
    %dma_wait3A_305 = arith.constant 0 : i32
    %dma_wait3A_306 = arith.constant 0 : i32
    %dma_wait3A_307 = tpu.memref_slice %arg4[%dma_wait3A_305, %dma_wait3A_306] : memref<50000x128xf32, #tpu.memory_space<hbm>> -> memref<112x128xf32, #tpu.memory_space<hbm>>
    %dma_wait3A_308 = arith.constant 0 : i32
    %dma_wait3A_309 = arith.constant 0 : i32
    %dma_wait3A_310 = tpu.memref_slice %arg6[%dma_wait3A_297, %dma_wait3A_308, %dma_wait3A_309] : memref<7x112x128xf32, #tpu.memory_space<vmem>> -> memref<1x112x128xf32, #tpu.memory_space<vmem>>
    %dma_wait3A_311 = tpu.memref_squeeze %dma_wait3A_310 : memref<1x112x128xf32, #tpu.memory_space<vmem>> -> memref<112x128xf32, #tpu.memory_space<vmem>>
    tpu.wait_dma2 semaphore(%arg26 : memref<!tpu.dma_semaphore, #tpu.memory_space<semaphore_mem>>) src(%dma_wait3A_311 : memref<112x128xf32, #tpu.memory_space<vmem>>) dst(%dma_wait3A_307 : memref<112x128xf32, #tpu.memory_space<hbm>>)
    %dma_wait3A_312 = arith.constant 6 : i32
    %dma_wait3A_313 = arith.constant 0 : i32
    %dma_wait3A_314 = arith.constant 0 : i32
    %dma_wait3A_315 = tpu.memref_slice %arg6[%dma_wait3A_312, %dma_wait3A_313, %dma_wait3A_314] : memref<7x112x128xf32, #tpu.memory_space<vmem>> -> memref<1x112x128xf32, #tpu.memory_space<vmem>>
    %dma_wait3A_316 = tpu.memref_squeeze %dma_wait3A_315 : memref<1x112x128xf32, #tpu.memory_space<vmem>> -> memref<112x128xf32, #tpu.memory_space<vmem>>
    %dma_wait3A_317 = arith.constant 0 : i32
    %dma_wait3A_318 = arith.constant 0 : i32
    %dma_wait3A_319 = tpu.memref_slice %arg4[%dma_wait3A_317, %dma_wait3A_318] : memref<50000x128xf32, #tpu.memory_space<hbm>> -> memref<112x128xf32, #tpu.memory_space<hbm>>
    %dma_wait3A_320 = arith.constant 0 : i32
    %dma_wait3A_321 = arith.constant 0 : i32
    %dma_wait3A_322 = tpu.memref_slice %arg4[%dma_wait3A_320, %dma_wait3A_321] : memref<50000x128xf32, #tpu.memory_space<hbm>> -> memref<112x128xf32, #tpu.memory_space<hbm>>
    %dma_wait3A_323 = arith.constant 0 : i32
    %dma_wait3A_324 = arith.constant 0 : i32
    %dma_wait3A_325 = tpu.memref_slice %arg6[%dma_wait3A_312, %dma_wait3A_323, %dma_wait3A_324] : memref<7x112x128xf32, #tpu.memory_space<vmem>> -> memref<1x112x128xf32, #tpu.memory_space<vmem>>
    %dma_wait3A_326 = tpu.memref_squeeze %dma_wait3A_325 : memref<1x112x128xf32, #tpu.memory_space<vmem>> -> memref<112x128xf32, #tpu.memory_space<vmem>>
    tpu.wait_dma2 semaphore(%arg27 : memref<!tpu.dma_semaphore, #tpu.memory_space<semaphore_mem>>) src(%dma_wait3A_326 : memref<112x128xf32, #tpu.memory_space<vmem>>) dst(%dma_wait3A_322 : memref<112x128xf32, #tpu.memory_space<hbm>>)
    return
  }
}

</mosaic_0001>

<sc_bundles>
// kernel: kernel.3.cloned.1.call-start
scs
__scs_entry_jumppad:
0x0: {  	(pc) =	sbr.rel $0x88, $3  }
0x1: {  	(tag) =	ssettag $0x0;
	lr =	simm.s32 $0x1  }
0x2: {  	[smem:$0x3F9F] =	sst lr;
	_ =	strace $0xD0000000  }
0x3: {  	_ = 	snop  }
0x4: {  	_ = 	snop  }
0x5: {  	_ = 	snop  }
0x6: {  	_ = 	snop  }
0x7: {  	_ = 	snop  }
__scs_overlays_trampoline_lowered:
0x8: {  	[smem:$0x3FAE] =	sst s0  }
0x9: {  	[smem:$0x3FAF] =	sst s1  }
0xa: {  	[smem:$0x3FB0] =	sst s2  }
0xb: {  	[smem:$0x3FB1] =	sst s3  }
0xc: {  	[smem:$0x3FB2] =	sst s4  }
0xd: {  	[smem:$0x3FB3] =	sst s5  }
0xe: {  	[smem:$0x3FB4] =	sst s6  }
0xf: {  	[smem:$0x3FB5] =	sst s7  }
0x10: {  	[smem:$0x3FB6] =	sst s8  }
0x11: {  	[smem:$0x3FB7] =	sst s9;
	s0 =	simm.s32 @!p0 $0x0  }
0x12: {  	s1 =	sld [smem:$0x3F9D];
	s0 =	simm.s32 @p0 $0x1  }
0x13: {  	[smem:$0x3FB8] =	sst s0;
	s0 =	simm.s32 @!p1 $0x0  }
0x14: {  	s2 =	sld [smem:$0x3F9C];
	s0 =	simm.s32 @p1 $0x1  }
0x15: {  	[smem:$0x3FB9] =	sst s0;
	s0 =	simm.s32 @!p2 $0x0  }
0x16: {  	s3 =	sld [smem:$0x3FDB];
	s0 =	simm.s32 @p2 $0x1  }
0x17: {  	s4 =	simm.s32 $0x1BF5;
	[smem:$0x3FBB] =	sst s0  }
0x18: {  	s0 =	sld [smem:$0x3F9E];
	_ =	swait.ge [sflag:s4], $0x0  }
0x19: {  	s7 =	sld [smem:$0x3F9F]  }
0x1a: {  	s8 =	sadd.s32 $0xFFFFE003, lr  }
0x1b: {  	s9 =	sadd.s32 $0xFFFFFEF7, lr;
	s5 =	simm.s32 $0xFFFFFFFF;
	p2 =	slt.u32 s8, $0xFFFFF086  }
0x1c: {  	p1 =	slt.u32 s9, $0xF7A;
	s5 =	simm.s32 @!p2 $0x0  }
0x1d: {  	s5 =	simm.s32 @p1 $0x1;
	p0 =	seq.s32 s7, s2  }
0x1e: {  	s7 =	smul.u32 @!p0 $0xF7A, s2;
	p2 =	seq.s32 @!p0 s5, $0x0  }
0x1f: {  	s9 =	smul.u32 $0xF7A, s1;
	s8 =	simm.s32 @!p0 $0x1BF5;
	p2 =	por !p2, p0  }
0x20: {  	[sflag:s8] =	ssyncset.s32 @!p0 $0xFFFFF086;
	s6 =	sadd.s32 @!p0 s3, s7;
	s7 =	simm.s32 @!p0 $0x108  }
0x21: {  	s3 =	sadd.s32 s3, s9;
	s6 =	sadd.s32 @!p0 $0x88, s6;
	s7 =	simm.s32 @p2 $0x1082  }
0x22: {  	[simem:s7], [sflag:s8] =	dma.local @!p0 [hbm:s6], $0xF7A  }
0x23: {  	s9 =	sor.u32 $0xD0000000, s2;
	s6 =	simm.s32 $0x108;
	_ =	swait.ge @!p0 [sflag:s8], $0x0  }
0x24: {  	s3 =	sadd.s32 $0x88, s3;
	s6 =	simm.s32 @!p1 $0x1082;
	[sflag:s4] =	ssyncset.s32 $0xFFFFF086  }
0x25: {  	[simem:s6], [sflag:s4] =	dma.local [hbm:s3], $0xF7A  }
0x26: {  	[smem:$0x3F9F] =	sst s1;
	(tag) =	ssettag s2;
	_ =	strace s9  }
0x27: {  	s1 =	sld [smem:$0x3FAF]  }
0x28: {  	s2 =	sld [smem:$0x3FB0]  }
0x29: {  	s4 =	sld [smem:$0x3FB2]  }
0x2a: {  	p0 =	seq.s32 s5, $0x0;
	s5 =	sld [smem:$0x3FB3]  }
0x2b: {  	s6 =	sld [smem:$0x3FB4]  }
0x2c: {  	s7 =	sld [smem:$0x3FB5]  }
0x2d: {  	s3 =	simm.s32 $0x108;
	s8 =	sld [smem:$0x3FB6]  }
0x2e: {  	s3 =	simm.s32 @!p0 $0x1082;
	s9 =	sld [smem:$0x3FB7]  }
0x2f: {  	lr =	sadd.s32 s0, s3;
	s0 =	sld [smem:$0x3FAE]  }
0x30: {  	s3 =	sld [smem:$0x3FB1]  }
0x31: {  	[smem:$0x3FBA] =	sst s10  }
0x32: {  	s10 =	sld [smem:$0x3FB8];
	_ =	sdelay $0x3  }
0x33: {  	p0 =	seq.s32 s10, $0x1;
	s10 =	sld [smem:$0x3FBA];
	_ =	sdelay $0x3  }
0x34: {  	[smem:$0x3FBA] =	sst s10  }
0x35: {  	s10 =	sld [smem:$0x3FB9];
	_ =	sdelay $0x3  }
0x36: {  	p1 =	seq.s32 s10, $0x1;
	s10 =	sld [smem:$0x3FBA];
	_ =	sdelay $0x3  }
0x37: {  	[smem:$0x3FBA] =	sst s10  }
0x38: {  	s10 =	sld [smem:$0x3FBB]  }
0x39: {  	_ = 	snop;
	(pc) =	sbr.ind lr, $3  }
0x3a: {  	_ = 	snop  }
0x3b: {  	_ = 	snop  }
0x3c: {  	p2 =	seq.s32 s10, $0x1;
	s10 =	sld [smem:$0x3FBA]  }
0x3d: {  	_ =	shalt  }
0x3e: {  	_ =	shalt  }
0x3f: {  	_ =	shalt  }
0x40: {  	_ =	shalt  }
0x41: {  	_ =	shalt  }
0x42: {  	_ =	shalt  }
0x43: {  	_ =	shalt  }
0x44: {  	_ =	shalt  }
0x45: {  	_ =	shalt  }
0x46: {  	_ =	shalt  }
0x47: {  	_ =	shalt  }
0x48: {  	_ =	shalt  }
0x49: {  	_ =	shalt  }
0x4a: {  	_ =	shalt  }
0x4b: {  	_ =	shalt  }
0x4c: {  	_ =	shalt  }
0x4d: {  	_ =	shalt  }
0x4e: {  	_ =	shalt  }
0x4f: {  	_ =	shalt  }
0x50: {  	_ =	shalt  }
0x51: {  	_ =	shalt  }
0x52: {  	_ =	shalt  }
0x53: {  	_ =	shalt  }
0x54: {  	_ =	shalt  }
0x55: {  	_ =	shalt  }
0x56: {  	_ =	shalt  }
0x57: {  	_ =	shalt  }
0x58: {  	_ =	shalt  }
0x59: {  	_ =	shalt  }
0x5a: {  	_ =	shalt  }
0x5b: {  	_ =	shalt  }
0x5c: {  	_ =	shalt  }
0x5d: {  	_ =	shalt  }
0x5e: {  	_ =	shalt  }
0x5f: {  	_ =	shalt  }
0x60: {  	_ =	shalt  }
0x61: {  	_ =	shalt  }
0x62: {  	_ =	shalt  }
0x63: {  	_ =	shalt  }
0x64: {  	_ =	shalt  }
0x65: {  	_ =	shalt  }
0x66: {  	_ =	shalt  }
0x67: {  	_ =	shalt  }
0x68: {  	_ =	shalt  }
0x69: {  	_ =	shalt  }
0x6a: {  	_ =	shalt  }
0x6b: {  	_ =	shalt  }
0x6c: {  	_ =	shalt  }
0x6d: {  	_ =	shalt  }
0x6e: {  	_ =	shalt  }
0x6f: {  	_ =	shalt  }
0x70: {  	_ =	shalt  }
0x71: {  	_ =	shalt  }
0x72: {  	_ =	shalt  }
0x73: {  	_ =	shalt  }
0x74: {  	_ =	shalt  }
0x75: {  	_ =	shalt  }
0x76: {  	_ =	shalt  }
0x77: {  	_ =	shalt  }
0x78: {  	_ =	shalt  }
0x79: {  	_ =	shalt  }
0x7a: {  	_ =	shalt  }
0x7b: {  	_ =	shalt  }
0x7c: {  	_ =	shalt  }
0x7d: {  	_ =	shalt  }
0x7e: {  	_ =	shalt  }
0x7f: {  	_ =	shalt  }
0x80: {  	_ =	shalt  }
0x81: {  	_ =	shalt  }
0x82: {  	_ =	shalt  }
0x83: {  	_ =	shalt  }
0x84: {  	_ =	shalt  }
0x85: {  	_ =	shalt  }
0x86: {  	_ =	shalt  }
0x87: {  	_ =	shalt  }
.Lfunc_end0:
.L_simem_size_0:
called_computation_lowered:
.L_overlay_start_0:
0x88: {  	s2 =	sld [smem:$0x3FD9]  }
0x89: {  	s3 =	sld [smem:$0x3FFE];
	_ =	sdelay $0x1  }
0x8a: {  	s1 =	srdreg.scid  }
0x8b: {  	s0 =	sand.u32 $0x1, s1  }
0x8c: {  	s17 =	sshll.u32 s0, $0xA;
	s2 =	sadd.s32 s3, s2  }
0x8d: {  	s2 =	sadd.s32 s2, s17  }
0x8e: {  	[smem:$0x3FC6] =	sst s2  }
0x8f: {  	_ = 	snop  }
0x90: {  	s2 =	sld [smem:$0x3FC8]  }
0x91: {  	s18 =	sld [smem:$0x3FD0];
	(tm) =	ssettm $0x1  }
0x92: {  	s4 =	sld [smem:$0x3FFB];
	_ =	sdelay $0x3  }
0x93: {  	_ =	strace s4  }
0x94: {  	s4 =	sld [smem:$0x3FFC];
	_ =	sdelay $0x3  }
0x95: {  	_ =	strace s4  }
0x96: {  	s4 =	sld [smem:$0x3FFD];
	_ =	sdelay $0x3  }
0x97: {  	_ =	strace s4  }
0x98: {  	_ =	strace $0x8FFFFFFF  }
0x99: {  	s19 =	sld [smem:$0x3FDB];
	_ =	sdelay $0x1  }
0x9a: {  	s5 =	simm.s32 $_scs_section_size  }
0x9b: {  	s6 =	simm.s32 $_size__tile_overlayer_lowered;
	s7 =	simm.s32 $_tile_overlayer_lowered  }
0x9c: {  	s22 =	simm.s32 $0x1BFF;
	s21 =	sshll.u32 s7, $0x1;
	s4 =	sadd.s32 s5, s19  }
0x9d: {  	s8 =	simm.s32 $0x0;
	s20 =	sshll.u32 s6, $0x1;
	s6 =	sadd.s32 s21, s4  }
0x9e: {  	[timem:s8], [sflag:s22] =	dma.local [hbm:s6], s20  }
0x9f: {  	_ =	swait.ge [sflag:s22], s20  }
0xa0: {  	s5 =	ssub.s32 $0x0, s20;
	[sflag:s22] =	ssyncset.done $0x0  }
0xa1: {  	[sflag:s22] =	ssyncadd.s32 s5;
	_ =	sdelay $0x1  }
0xa2: {  	s23 =	simm.s32 $0x1B8B  }
0xa3: {  	_ =	swait.ge [sflag:s23], $0x1  }
0xa4: {  	[sflag:s23] =	ssyncset.done $0x0  }
0xa5: {  	s25 =	simm.s32 $0x1B8E;
	s24 =	sld [smem:$0x3FFE];
	[sflag:s23] =	ssyncadd.s32 $0xFFFFFFFF  }
0xa6: {  	s26 =	simm.s32 $execute0_lowered;
	[smem:$0x3FD2] =	sst s25  }
0xa7: {  	s6 =	sshll.u32 s26, $0x1;
	_ =	strace $0x80000046;
	[dreg:$0x1] =	wrdreg $0xFFFFFFFF  }
0xa8: {  	s28 =	simm.s32 $_size_execute0_lowered;
	s4 =	sadd.s32 s4, s6;
	[dreg:$0x0] =	wrdreg $0x0  }
0xa9: {  	s6 =	sshll.u32 s28, $0x1;
	[dreg:$0x2] =	wrdreg s4  }
0xaa: {  	[dreg:$0x3] =	wrdreg s6  }
0xab: {  	[dreg:$0x4] =	wrdreg $0xC0  }
0xac: {  	_ =	task [dreg:s8], $0x5FFFF  }
0xad: {  	[dreg:$0x1] =	wrdreg $0xFFFFFFFF  }
0xae: {  	[dreg:$0x0] =	wrdreg $0x60  }
0xaf: {  	[dreg:$0x2] =	wrdreg s24  }
0xb0: {  	[dreg:$0x3] =	wrdreg s2  }
0xb1: {  	[dreg:$0x4] =	wrdreg s18  }
0xb2: {  	[dreg:$0x5] =	wrdreg $0x9  }
0xb3: {  	_ =	task.clear_ibuf [dreg:s8], $0x6FFFF;
	_ =	strace $0x90000046  }
0xb4: {  	s29 =	simm.s32 $0x9;
	_ =	strace $0x80000048  }
0xb5: {  	_ =	swait.ge [sflag:s29], $0x1  }
0xb6: {  	[sflag:s29] =	ssyncadd.s32 $0xFFFFFFFF  }
0xb7: {  	_ =	strace $0x90000048  }
0xb8: {  	_ =	sfence  }
0xb9: {  	s30 =	sld [smem:$0x0];
	_ =	sdelay $0x2  }
0xba: {  	s31 =	sshll.u32 s1, $0xD;
	s1 =	sshrl.u32 s1, $0x2  }
0xbb: {  	s3 =	sand.u32 $0x4000, s31;
	s1 =	sadd.s32 s1, s30  }
0xbc: {  	s0 =	sor.u32 s3, s0;
	s1 =	sshll.u32 s1, $0x11  }
0xbd: {  	s0 =	sor.u32 s1, s0  }
0xbe: {  	s0 =	sadd.s32 $0x8F2B, s0  }
0xbf: {  	[sflag:s0] =	ssyncadd.remote.s32 $0x1  }
0xc0: {  	_ =	sfence.sel $0xFFFF  }
0xc1: {  	[dreg:$0x0] =	wrdreg $0xFFFFFFFF;
	(pc) =	sbr.abs _section_cstart, $3  }
0xc2: {  	[dreg:$0x1] =	wrdreg $0xFFFFFFFF  }
0xc3: {  	_ =	task.clear_ibuf [dreg:s8], $0x2FFFF;
	_ =	strace $0x9FFFFFFF  }
0xc4: {  	(tm) =	ssettm $0x7FFFFFFF  }
0xc5: {  	_ =	shalt  }
tec
execute0_lowered:
.L_overlay_start_1:
0x0: {  	(tag) =	ssettag $0x1  }
0x1: {  	s0 =	srdreg.scid;
	s1 =	rddreg [dreg:$0x0]  }
0x2: {  	s2 =	stileid.u32;
	s4 =	rddreg [dreg:$0x2]  }
0x3: {  	s5 =	simm.s32 $0x0;
	s29 =	simm.s32 $0x5;
	s30 =	simm.s32 $0x8  }
0x4: {  	s10 =	simm.s32 $0xB;
	s11 =	simm.s32 $0xD;
	s12 =	simm.s32 $0xE  }
0x5: {  	s0 =	sand.u32 $0x1, s0;
	s3 =	sshll.u32 s2, $0x1;
	s2 =	rddreg [dreg:$0x1]  }
0x6: {  	s31 =	simm.s32 $0x13;
	[smem:$0x7FF] =	sst s5;
	s3 =	sor.u32 s0, s3  }
0x7: {  	s0 =	ssub.s32 $0x2, s0;
	_ =	strace $0x80000047;
	s6 =	smul.u32 $0x70, s3  }
0x8: {  	s7 =	sshrl.u32 s0, $0x1;
	s13 =	sor.u32 $0x20, s3;
	s22 =	sor.u32 $0x60, s3  }
0x9: {  	s14 =	sor.u32 $0x40, s3;
	s23 =	sor.u32 $0xA0, s3;
	[dreg:$0xb] =	wrdreg s22  }
0xa: {  	s24 =	sor.u32 $0xC0, s3;
	s0 =	ssub.s32 s0, s7;
	[dreg:$0xc] =	wrdreg s23  }
0xb: {  	[dreg:$0xd] =	wrdreg s24;
	s8 =	sshrl.u32 s6, $0x3;
	s0 =	smax.u32 s0, $0x1  }
0xc: {  	s26 =	smul.u32 $0xE, s3;
	s8 =	sadd.s32 s1, s8;
	[dreg:$0x10] =	wrdreg s0  }
0xd: {  	s7 =	simm.s32 $0x11C00;
	s16 =	sadd.s32 $0x1C0, s8;
	[dreg:$0x4] =	wrdreg s8  }
0xe: {  	s6 =	smin.u32 s6, $0xCE0;
	s17 =	sadd.s32 $0x380, s8;
	[dreg:$0x5] =	wrdreg s16  }
0xf: {  	s6 =	sshrl.u32 s6, $0x3;
	s18 =	sadd.s32 $0x540, s8;
	[dreg:$0x6] =	wrdreg s17  }
0x10: {  	s19 =	sadd.s32 $0x700, s8;
	s20 =	sadd.s32 $0x8C0, s8;
	[dreg:$0x7] =	wrdreg s18  }
0x11: {  	s21 =	sadd.s32 $0xA80, s8;
	s25 =	sadd.s32 $0xC40, s8;
	[dreg:$0x8] =	wrdreg s19  }
0x12: {  	s6 =	sadd.s32 s1, s6;
	s1 =	sadd.s32 s26, s1;
	[dreg:$0x9] =	wrdreg s20  }
.Ltmp0:
0x13: {  	s22 =	sadd.s32 $0x1340, s8;
	[dreg:$0xa] =	wrdreg s21;
	(pc) =	sbr.rel .LBB2_1-.Ltmp0, $4  }
0x14: {  	s26 =	sadd.s32 $0x1500, s8;
	s16 =	sor.u32 $0x80, s3;
	[dreg:$0xe] =	wrdreg s25  }
0x15: {  	s19 =	smov.u32 s3;
	s20 =	sadd.s32 $0xFC0, s8;
	s21 =	sadd.s32 $0x1180, s8  }
0x16: {  	s28 =	sadd.s32 $0x16C0, s6;
	s25 =	sadd.s32 $0xE00, s1;
	s8 =	simm.s32 $0x70  }
0x17: {  	s6 =	simm.s32 $0x6;
	s3 =	simm.s32 $0x0;
	[dreg:$0xf] =	wrdreg s28  }
.LBB2_4:
0x18: {  	s0 =	simm.s32 $0xF  }
0x19: {  	_ =	swait.ge [sflag:s0], $0x3800  }
0x1a: {  	[sflag:s0] =	ssyncset.done $0x0  }
0x1b: {  	s17 =	simm.s32 $0x10;
	[sflag:s0] =	ssyncadd.s32 $0xFFFFC800  }
0x1c: {  	_ =	swait.ge [sflag:s17], $0x3800  }
0x1d: {  	[sflag:s17] =	ssyncset.done $0x0  }
0x1e: {  	s18 =	simm.s32 $0x11;
	[sflag:s17] =	ssyncadd.s32 $0xFFFFC800  }
0x1f: {  	_ =	swait.ge [sflag:s18], $0x3800  }
0x20: {  	[sflag:s18] =	ssyncset.done $0x0  }
0x21: {  	s23 =	simm.s32 $0x12;
	[sflag:s18] =	ssyncadd.s32 $0xFFFFC800  }
0x22: {  	_ =	swait.ge [sflag:s23], $0x3800  }
0x23: {  	[sflag:s23] =	ssyncset.done $0x0  }
0x24: {  	[sflag:s23] =	ssyncadd.s32 $0xFFFFC800  }
0x25: {  	_ =	swait.ge [sflag:s31], $0x3800  }
0x26: {  	[sflag:s31] =	ssyncset.done $0x0  }
0x27: {  	s24 =	simm.s32 $0x14;
	[sflag:s31] =	ssyncadd.s32 $0xFFFFC800  }
0x28: {  	_ =	swait.ge [sflag:s24], $0x3800  }
0x29: {  	[sflag:s24] =	ssyncset.done $0x0  }
0x2a: {  	s1 =	simm.s32 $0x15;
	[sflag:s24] =	ssyncadd.s32 $0xFFFFC800  }
0x2b: {  	_ =	swait.ge [sflag:s1], $0x3800  }
0x2c: {  	s3 =	rddreg [dreg:$0x11]  }
0x2d: {  	s28 =	rddreg [dreg:$0x10];
	s3 =	sadd.s32 $0x1, s3  }
0x2e: {  	p0 =	sne.s32 s3, s28  }
.Ltmp1:
0x2f: {  	_ = 	snop;
	(pc) =	sbr.rel @!p0 .LBB2_5-.Ltmp1, $3  }
0x30: {  	_ =	sdelay $0x1  }
0x31: {  	[sflag:s1] =	ssyncset.done $0x0  }
0x32: {  	[sflag:s1] =	ssyncadd.s32 $0xFFFFC800  }
.LBB2_1:
0x33: {  	[dreg:$0x11] =	wrdreg s3  }
0x34: {  	s0 =	rddreg [dreg:$0x4]  }
0x35: {  	[tilespmem:s5], [sflag:$0x1] =	stream.linear.gather [hbm4b:s0+s5], $0x70, $0x38;
	[tilespmem:$0x18C00] =	vst v63  }
0x36: {  	s9 =	rddreg [dreg:$0x5];
	s1 =	simm.s32 $0x80  }
0x37: {  	[tilespmem:s1], [sflag:$0x2] =	stream.linear.gather [hbm4b:s9+s5], $0x70, $0x38;
	[tilespmem:$0x18C00] =	vst v63  }
0x38: {  	s15 =	rddreg [dreg:$0x6];
	s3 =	simm.s32 $0x100  }
0x39: {  	[tilespmem:s3], [sflag:$0x3] =	stream.linear.gather [hbm4b:s15+s5], $0x70, $0x38;
	[tilespmem:$0x18C00] =	vst v63  }
0x3a: {  	s17 =	rddreg [dreg:$0x7];
	s9 =	simm.s32 $0x180  }
0x3b: {  	[tilespmem:s9], [sflag:$0x4] =	stream.linear.gather [hbm4b:s17+s5], $0x70, $0x38;
	[tilespmem:$0x18C00] =	vst v63  }
0x3c: {  	s18 =	rddreg [dreg:$0x8];
	s15 =	simm.s32 $0x200  }
0x3d: {  	[tilespmem:s15], [sflag:$0x5] =	stream.linear.gather [hbm4b:s18+s5], $0x70, $0x38;
	[tilespmem:$0x18C00] =	vst v63  }
0x3e: {  	s23 =	rddreg [dreg:$0x9];
	s17 =	simm.s32 $0x280  }
0x3f: {  	[tilespmem:s17], [sflag:$0x6] =	stream.linear.gather [hbm4b:s23+s5], $0x70, $0x38;
	[tilespmem:$0x18C00] =	vst v63  }
0x40: {  	s24 =	rddreg [dreg:$0xa];
	s28 =	simm.s32 $0x300;
	s18 =	simm.s32 $0x1  }
0x41: {  	[tilespmem:s28], [sflag:$0x7] =	stream.linear.gather [hbm4b:s24+s5], $0x70, $0x38;
	[tilespmem:$0x18C00] =	vst v63  }
0x42: {  	_ =	swait.ge [sflag:s18], $0x70  }
0x43: {  	[sflag:s18] =	ssyncset.done $0x0  }
0x44: {  	s23 =	simm.s32 $0x400;
	s24 =	simm.s32 $0x2;
	[sflag:s18] =	ssyncadd.s32 $0xFFFFFF90  }
0x45: {  	[tilespmem:s23], [sflag:$0x8] =	stream.indirect.gather [hbm4b:s2+s8], $0x80, s5, s8, $0xb8;
	[tilespmem:$0x18C00] =	vst v63  }
0x46: {  	_ =	swait.ge [sflag:s24], $0x70  }
0x47: {  	[sflag:s24] =	ssyncset.done $0x0  }
0x48: {  	s17 =	simm.s32 $0x3;
	s28 =	simm.s32 $0x3C00;
	[sflag:s24] =	ssyncadd.s32 $0xFFFFFF90  }
0x49: {  	[tilespmem:s28], [sflag:$0x9] =	stream.indirect.gather [hbm4b:s2+s8], $0x80, s1, s8, $0xb8;
	[tilespmem:$0x18C00] =	vst v63  }
0x4a: {  	_ =	swait.ge [sflag:s17], $0x70  }
0x4b: {  	[sflag:s17] =	ssyncset.done $0x0  }
0x4c: {  	s18 =	simm.s32 $0x7400;
	s23 =	simm.s32 $0x4;
	[sflag:s17] =	ssyncadd.s32 $0xFFFFFF90  }
0x4d: {  	[tilespmem:s18], [sflag:$0xA] =	stream.indirect.gather [hbm4b:s2+s8], $0x80, s3, s8, $0xb8;
	[tilespmem:$0x18C00] =	vst v63  }
0x4e: {  	_ =	swait.ge [sflag:s23], $0x70  }
0x4f: {  	[sflag:s23] =	ssyncset.done $0x0  }
0x50: {  	s24 =	simm.s32 $0xAC00;
	[sflag:s23] =	ssyncadd.s32 $0xFFFFFF90  }
0x51: {  	[tilespmem:s24], [sflag:$0xB] =	stream.indirect.gather [hbm4b:s2+s8], $0x80, s9, s8, $0xb8;
	[tilespmem:$0x18C00] =	vst v63  }
0x52: {  	_ =	swait.ge [sflag:s29], $0x70  }
0x53: {  	p0 =	por $0x1, $0x1;
	p1 =	por $0x0, $0x0;
	[sflag:s29] =	ssyncset.done $0x0  }
0x54: {  	s28 =	simm.s32 $0xE400;
	s1 =	simm.s32 $0x0;
	[sflag:s29] =	ssyncadd.s32 $0xFFFFFF90  }
0x55: {  	[tilespmem:s28], [sflag:$0xC] =	stream.indirect.gather [hbm4b:s2+s8], $0x80, s15, s8, $0xb8;
	[tilespmem:$0x18C00] =	vst v63  }
.LBB2_2:
0x56: {  	s9 =	sor.u32 s19, s1  }
0x57: {  	_ =	swait.ge [sflag:s30], $0x3800;
	s9 =	smul.u32 $0x700, s9  }
0x58: {  	[sflag:s30] =	ssyncset.done $0x0  }
0x59: {  	s0 =	simm.s32 $0x400;
	[sflag:s30] =	ssyncadd.s32 $0xFFFFC800;
	s9 =	sadd.s32 s4, s9  }
0x5a: {  	[hbm4b:s9+s5] =	stream.linear.scatter [tilespmem:s0], [sflag:$0xF], $0x3800, $0x38;
	[tilespmem:$0x18C00] =	vst v63  }
0x5b: {  	s9 =	simm.s32 @p1 $0x14  }
0x5c: {  	_ =	swait.ge @p1 [sflag:s9], $0x3800  }
0x5d: {  	[sflag:s9] =	ssyncset.done @p1 $0x0  }
0x5e: {  	[sflag:s9] =	ssyncadd.s32 @p1 $0xFFFFC800  }
0x5f: {  	_ =	swait.ge [sflag:s6], $0x70  }
0x60: {  	s17 =	simm.s32 $0x280;
	[sflag:s6] =	ssyncset.done $0x0  }
0x61: {  	s24 =	sadd.s32 @!p0 s13, s1;
	s9 =	simm.s32 @!p0 $0x9;
	[sflag:s6] =	ssyncadd.s32 $0xFFFFFF90  }
0x62: {  	[tilespmem:s7], [sflag:$0xD] =	stream.indirect.gather [hbm4b:s2+s8], $0x80, s17, s8, $0xb8;
	[tilespmem:$0x18C00] =	vst v63  }
0x63: {  	s24 =	smul.u32 @!p0 $0x700, s24;
	_ =	swait.ge @!p0 [sflag:s9], $0x3800  }
0x64: {  	s28 =	simm.s32 @!p0 $0x0;
	[sflag:s9] =	ssyncset.done @!p0 $0x0  }
0x65: {  	[sflag:s9] =	ssyncadd.s32 @!p0 $0xFFFFC800;
	s9 =	sadd.s32 @!p0 s4, s24;
	s24 =	simm.s32 @!p0 $0x3C00  }
0x66: {  	[hbm4b:s9+s28] =	stream.linear.scatter @!p0 [tilespmem:s24], [sflag:$0x10], $0x3800, $0x38;
	[tilespmem:$0x18C00] =	vst v63  }
0x67: {  	s9 =	simm.s32 @!p0 $0x15  }
0x68: {  	_ =	swait.ge @!p0 [sflag:s9], $0x3800  }
0x69: {  	[sflag:s9] =	ssyncset.done @!p0 $0x0  }
0x6a: {  	[sflag:s9] =	ssyncadd.s32 @!p0 $0xFFFFC800;
	s9 =	simm.s32 @!p0 $0x7  }
0x6b: {  	_ =	swait.ge @!p0 [sflag:s9], $0x70  }
0x6c: {  	s0 =	simm.s32 @!p0 $0x15400;
	[sflag:s9] =	ssyncset.done @!p0 $0x0  }
0x6d: {  	s24 =	simm.s32 @!p0 $0x300;
	[sflag:s9] =	ssyncadd.s32 @!p0 $0xFFFFFF90;
	s9 =	simm.s32 @!p0 $0x70  }
0x6e: {  	[tilespmem:s0], [sflag:$0xE] =	stream.indirect.gather @!p0 [hbm4b:s2+s9], $0x80, s24, s9, $0xb8;
	[tilespmem:$0x18C00] =	vst v63  }
0x6f: {  	s0 =	simm.s32 @!p0 $0xA;
	s9 =	sadd.s32 @!p0 s14, s1  }
0x70: {  	_ =	swait.ge @!p0 [sflag:s0], $0x3800;
	s9 =	smul.u32 @!p0 $0x700, s9  }
0x71: {  	[sflag:s0] =	ssyncset.done @!p0 $0x0  }
0x72: {  	[sflag:s0] =	ssyncadd.s32 @!p0 $0xFFFFC800;
	s0 =	sadd.s32 @!p0 s4, s9;
	s9 =	simm.s32 @!p0 $0x7400  }
0x73: {  	[hbm4b:s0+s28] =	stream.linear.scatter @!p0 [tilespmem:s9], [sflag:$0x11], $0x3800, $0x38;
	[tilespmem:$0x18C00] =	vst v63  }
0x74: {  	s24 =	simm.s32 @p0 $0x0;
	s0 =	rddreg [dreg:$0xe]  }
0x75: {  	[tilespmem:s24], [sflag:$0x1] =	stream.linear.gather @p0 [hbm4b:s0+s24], $0x70, $0x38;
	[tilespmem:$0x18C00] =	vst v63  }
0x76: {  	s9 =	sadd.s32 @p0 s13, s1;
	s0 =	simm.s32 @p0 $0x9  }
0x77: {  	s9 =	smul.u32 @p0 $0x700, s9;
	_ =	swait.ge @p0 [sflag:s0], $0x3800  }
0x78: {  	[sflag:s0] =	ssyncset.done @p0 $0x0  }
0x79: {  	s3 =	simm.s32 @p0 $0x3C00;
	[sflag:s0] =	ssyncadd.s32 @p0 $0xFFFFC800;
	s0 =	sadd.s32 @p0 s4, s9  }
0x7a: {  	[hbm4b:s0+s24] =	stream.linear.scatter @p0 [tilespmem:s3], [sflag:$0x10], $0x3800, $0x38;
	[tilespmem:$0x18C00] =	vst v63  }
0x7b: {  	s0 =	simm.s32 @p0 $0x7  }
0x7c: {  	_ =	swait.ge @p0 [sflag:s0], $0x70  }
0x7d: {  	s15 =	simm.s32 @p0 $0x15400;
	[sflag:s0] =	ssyncset.done @p0 $0x0  }
0x7e: {  	s9 =	simm.s32 @p0 $0x70;
	[sflag:s0] =	ssyncadd.s32 @p0 $0xFFFFFF90;
	s0 =	simm.s32 @p0 $0x300  }
0x7f: {  	[tilespmem:s15], [sflag:$0xE] =	stream.indirect.gather @p0 [hbm4b:s2+s9], $0x80, s0, s9, $0xb8;
	[tilespmem:$0x18C00] =	vst v63  }
0x80: {  	s17 =	sadd.s32 @p0 s14, s1;
	s0 =	simm.s32 @p0 $0x80;
	s15 =	simm.s32 @p0 $0xA  }
0x81: {  	[tilespmem:s0], [sflag:$0x2] =	stream.linear.gather @p0 [hbm4b:s25+s24], $0x70, $0x38;
	[tilespmem:$0x18C00] =	vst v63  }
0x82: {  	s17 =	smul.u32 @p0 $0x700, s17;
	_ =	swait.ge @p0 [sflag:s15], $0x3800  }
0x83: {  	[sflag:s15] =	ssyncset.done @p0 $0x0  }
0x84: {  	[sflag:s15] =	ssyncadd.s32 @p0 $0xFFFFC800;
	s15 =	sadd.s32 @p0 s4, s17;
	s17 =	simm.s32 @p0 $0x7400  }
0x85: {  	[hbm4b:s15+s24] =	stream.linear.scatter @p0 [tilespmem:s17], [sflag:$0x11], $0x3800, $0x38;
	[tilespmem:$0x18C00] =	vst v63  }
0x86: {  	s15 =	simm.s32 @p0 $0xF  }
0x87: {  	_ =	swait.ge @p0 [sflag:s15], $0x3800  }
0x88: {  	[sflag:s15] =	ssyncset.done @p0 $0x0  }
0x89: {  	[sflag:s15] =	ssyncadd.s32 @p0 $0xFFFFC800;
	s15 =	simm.s32 @p0 $0x1  }
0x8a: {  	_ =	swait.ge @p0 [sflag:s15], $0x70  }
0x8b: {  	[sflag:s15] =	ssyncset.done @p0 $0x0  }
0x8c: {  	s18 =	rddreg [dreg:$0xb];
	[sflag:s15] =	ssyncadd.s32 @p0 $0xFFFFFF90;
	s15 =	simm.s32 @p0 $0x400  }
0x8d: {  	[tilespmem:s15], [sflag:$0x8] =	stream.indirect.gather @p0 [hbm4b:s2+s9], $0x80, s24, s9, $0xb8;
	[tilespmem:$0x18C00] =	vst v63  }
0x8e: {  	s18 =	sadd.s32 s18, s1;
	s15 =	simm.s32 @p0 $0x100  }
0x8f: {  	[tilespmem:s15], [sflag:$0x3] =	stream.linear.gather @p0 [hbm4b:s20+s24], $0x70, $0x38;
	[tilespmem:$0x18C00] =	vst v63  }
0x90: {  	s18 =	smul.u32 $0x700, s18;
	_ =	swait.ge [sflag:s10], $0x3800  }
0x91: {  	[sflag:s10] =	ssyncset.done $0x0  }
0x92: {  	s23 =	simm.s32 $0xAC00;
	s18 =	sadd.s32 s4, s18;
	[sflag:s10] =	ssyncadd.s32 $0xFFFFC800  }
0x93: {  	[hbm4b:s18+s5] =	stream.linear.scatter [tilespmem:s23], [sflag:$0x12], $0x3800, $0x38;
	[tilespmem:$0x18C00] =	vst v63  }
0x94: {  	s18 =	simm.s32 @!p0 $0xC;
	s23 =	sadd.s32 @!p0 s16, s1  }
0x95: {  	_ =	swait.ge @!p0 [sflag:s18], $0x3800;
	s23 =	smul.u32 @!p0 $0x700, s23  }
0x96: {  	[sflag:s18] =	ssyncset.done @!p0 $0x0  }
0x97: {  	[sflag:s18] =	ssyncadd.s32 @!p0 $0xFFFFC800;
	s18 =	sadd.s32 @!p0 s4, s23;
	s23 =	simm.s32 @!p0 $0xE400  }
0x98: {  	[hbm4b:s18+s28] =	stream.linear.scatter @!p0 [tilespmem:s23], [sflag:$0x13], $0x3800, $0x38;
	[tilespmem:$0x18C00] =	vst v63  }
0x99: {  	s18 =	simm.s32 @p0 $0x10  }
0x9a: {  	_ =	swait.ge @p0 [sflag:s18], $0x3800  }
0x9b: {  	[sflag:s18] =	ssyncset.done @p0 $0x0  }
0x9c: {  	[sflag:s18] =	ssyncadd.s32 @p0 $0xFFFFC800;
	s18 =	simm.s32 @p0 $0x2  }
0x9d: {  	_ =	swait.ge @p0 [sflag:s18], $0x70  }
0x9e: {  	[sflag:s18] =	ssyncset.done @p0 $0x0  }
0x9f: {  	[sflag:s18] =	ssyncadd.s32 @p0 $0xFFFFFF90  }
0xa0: {  	[tilespmem:s3], [sflag:$0x9] =	stream.indirect.gather @p0 [hbm4b:s2+s9], $0x80, s0, s9, $0xb8;
	[tilespmem:$0x18C00] =	vst v63  }
0xa1: {  	s18 =	sadd.s32 @p0 s16, s1;
	s0 =	simm.s32 @p0 $0x180;
	s3 =	simm.s32 @p0 $0xC  }
0xa2: {  	[tilespmem:s0], [sflag:$0x4] =	stream.linear.gather @p0 [hbm4b:s21+s24], $0x70, $0x38;
	[tilespmem:$0x18C00] =	vst v63  }
0xa3: {  	s18 =	smul.u32 @p0 $0x700, s18;
	_ =	swait.ge @p0 [sflag:s3], $0x3800  }
0xa4: {  	[sflag:s3] =	ssyncset.done @p0 $0x0  }
0xa5: {  	[sflag:s3] =	ssyncadd.s32 @p0 $0xFFFFC800;
	s3 =	sadd.s32 @p0 s4, s18;
	s18 =	simm.s32 @p0 $0xE400  }
0xa6: {  	[hbm4b:s3+s24] =	stream.linear.scatter @p0 [tilespmem:s18], [sflag:$0x13], $0x3800, $0x38;
	[tilespmem:$0x18C00] =	vst v63  }
0xa7: {  	s3 =	simm.s32 @p0 $0x11  }
0xa8: {  	_ =	swait.ge @p0 [sflag:s3], $0x3800  }
0xa9: {  	[sflag:s3] =	ssyncset.done @p0 $0x0  }
0xaa: {  	[sflag:s3] =	ssyncadd.s32 @p0 $0xFFFFC800;
	s3 =	simm.s32 @p0 $0x3  }
0xab: {  	_ =	swait.ge @p0 [sflag:s3], $0x70  }
0xac: {  	[sflag:s3] =	ssyncset.done @p0 $0x0  }
0xad: {  	[sflag:s3] =	ssyncadd.s32 @p0 $0xFFFFFF90  }
0xae: {  	[tilespmem:s17], [sflag:$0xA] =	stream.indirect.gather @p0 [hbm4b:s2+s9], $0x80, s15, s9, $0xb8;
	[tilespmem:$0x18C00] =	vst v63  }
0xaf: {  	s18 =	rddreg [dreg:$0xc];
	s3 =	simm.s32 @p0 $0x200  }
0xb0: {  	[tilespmem:s3], [sflag:$0x5] =	stream.linear.gather @p0 [hbm4b:s22+s24], $0x70, $0x38;
	[tilespmem:$0x18C00] =	vst v63  }
0xb1: {  	s3 =	sadd.s32 s18, s1  }
0xb2: {  	_ =	swait.ge [sflag:s11], $0x3800;
	s3 =	smul.u32 $0x700, s3  }
0xb3: {  	[sflag:s11] =	ssyncset.done $0x0  }
0xb4: {  	[sflag:s11] =	ssyncadd.s32 $0xFFFFC800;
	s3 =	sadd.s32 s4, s3  }
0xb5: {  	[hbm4b:s3+s5] =	stream.linear.scatter [tilespmem:s7], [sflag:$0x14], $0x3800, $0x38;
	[tilespmem:$0x18C00] =	vst v63  }
0xb6: {  	s3 =	simm.s32 @p0 $0x12  }
0xb7: {  	_ =	swait.ge @p0 [sflag:s3], $0x3800  }
0xb8: {  	[sflag:s3] =	ssyncset.done @p0 $0x0  }
0xb9: {  	[sflag:s3] =	ssyncadd.s32 @p0 $0xFFFFC800;
	s3 =	simm.s32 @p0 $0x4  }
0xba: {  	_ =	swait.ge @p0 [sflag:s3], $0x70  }
0xbb: {  	[sflag:s3] =	ssyncset.done @p0 $0x0  }
0xbc: {  	s23 =	rddreg [dreg:$0xd];
	[sflag:s3] =	ssyncadd.s32 @p0 $0xFFFFFF90;
	s3 =	simm.s32 @p0 $0xAC00  }
0xbd: {  	[tilespmem:s3], [sflag:$0xB] =	stream.indirect.gather @p0 [hbm4b:s2+s9], $0x80, s0, s9, $0xb8;
	[tilespmem:$0x18C00] =	vst v63  }
0xbe: {  	s0 =	sadd.s32 s23, s1  }
0xbf: {  	s1 =	simm.s32 @p0 $0x280;
	s0 =	smul.u32 $0x70, s0  }
0xc0: {  	[tilespmem:s1], [sflag:$0x6] =	stream.linear.gather @p0 [hbm4b:s26+s24], $0x70, $0x38;
	[tilespmem:$0x18C00] =	vst v63  }
.Ltmp2:
0xc1: {  	_ = 	snop;
	(pc) =	sbr.rel @!p0 .LBB2_4-.Ltmp2, $4  }
0xc2: {  	_ =	swait.ge [sflag:s12], $0x3800;
	s0 =	smin.u32 s0, $0xC2E0  }
0xc3: {  	[sflag:s12] =	ssyncset.done $0x0;
	s0 =	sshll.u32 s0, $0x4  }
0xc4: {  	s28 =	simm.s32 $0x15400;
	[sflag:s12] =	ssyncadd.s32 $0xFFFFC800;
	s0 =	sadd.s32 s4, s0  }
0xc5: {  	[hbm4b:s0+s5] =	stream.linear.scatter [tilespmem:s28], [sflag:$0x15], $0x3800, $0x38;
	[tilespmem:$0x18C00] =	vst v63  }
0xc6: {  	_ =	swait.ge [sflag:s31], $0x3800  }
0xc7: {  	[sflag:s31] =	ssyncset.done $0x0  }
0xc8: {  	[sflag:s31] =	ssyncadd.s32 $0xFFFFC800  }
0xc9: {  	s0 =	simm.s32 $0x200;
	_ =	swait.ge [sflag:s29], $0x70  }
.Ltmp3:
0xca: {  	s1 =	simm.s32 $0xE400;
	[sflag:s29] =	ssyncset.done $0x0;
	(pc) =	sbr.rel .LBB2_2-.Ltmp3, $4  }
0xcb: {  	s28 =	simm.s32 $0x300;
	p0 =	por $0x0, $0x0;
	[sflag:s29] =	ssyncadd.s32 $0xFFFFFF90  }
0xcc: {  	[tilespmem:s1], [sflag:$0xC] =	stream.indirect.gather [hbm4b:s2+s8], $0x80, s0, s8, $0xb8;
	[tilespmem:$0x18C00] =	vst v63  }
0xcd: {  	p1 =	por $0x1, $0x1;
	s24 =	rddreg [dreg:$0xf];
	s1 =	simm.s32 $0xE0  }
0xce: {  	[tilespmem:s28], [sflag:$0x7] =	stream.linear.gather [hbm4b:s24+s5], $0x70, $0x38;
	[tilespmem:$0x18C00] =	vst v63  }
.LBB2_5:
0xcf: {  	_ =	sfence.sel $0x180000  }
0xd0: {  	[bflag:$0x0] =	sbarrier.arrive $0xFFFF  }
0xd1: {  	_ =	strace $0x90000047  }
0xd2: {  	s0 =	stileid.u32;
	[bflag:$0x2] =	sbarrier.arrive $0xFFFF  }
0xd3: {  	p0 =	sne.s32 s0, $0x0;
	s0 =	rddreg [dreg:$0x3]  }
0xd4: {  	s0 =	sadd.s32 @!p0 $0x100000, s0  }
0xd5: {  	[sflag:s0] =	ssyncadd.tile.s32 @!p0 $0x1;
	_ =	shalt  }
.Lfunc_end2:
_tile_overlayer_lowered:
.L_overlay_start_2:
0xd6: {  	(tag) =	ssettag $0x2  }
0xd7: {  	s0 =	rddreg [dreg:$0x0];
	s2 =	stileid.u32  }
0xd8: {  	s1 =	rddreg [dreg:$0x1];
	p0 =	sne.s32 s2, $0x0  }
0xd9: {  	s3 =	rddreg [dreg:$0x2];
	[bflag:$0x3] =	sbarrier.arrive $0xFFFF;
	s2 =	simm.s32 @!p0 $0x1C16  }
0xda: {  	[timem:s3], [sflag:s2] =	dma.local @!p0 [hbm:s0], s1  }
0xdb: {  	s0 =	simm.s32 @!p0 $0x16  }
0xdc: {  	_ =	swait.ge @!p0 [sflag:s0], s1  }
0xdd: {  	s1 =	ssub.s32 @!p0 $0x0, s1;
	[sflag:s0] =	ssyncset.done @!p0 $0x0  }
0xde: {  	[sflag:s0] =	ssyncadd.s32 @!p0 s1  }
0xdf: {  	[bflag:$0x3] =	sbarrier.arrive $0xFFFF  }
0xe0: {  	_ =	shalt  }

</sc_bundles>
